<compile_context>
chip_gen: v7x
topology: tpu7x:2x2x1
jax: 0.10.2.dev20260603
libtpu: 0.0.44.dev20260713+nightly
codegen_flags: <defaults>
</compile_context>

<pallas_src>
import functools

import jax
import jax.numpy as jnp
from jax import lax
from jax.experimental import pallas as pl
from jax.experimental.pallas import tpu as pltpu
from jax.experimental.pallas import tpu_sc as plsc

_K = 1024
_D = 64
_T = 1024
_N = 8
_R = 8
_DC = 16
_L = 16


def _argmin_body(z_ref, w_ref, w2x_ref, q_ref):
    z = z_ref[0]
    w = w_ref[...]
    w2x = w2x_ref[...]
    s2 = lax.dot_general(w2x, z, (((1,), (0,)), ((), ())),
                         preferred_element_type=jnp.float32)
    z2 = jnp.sum(z * z, axis=0)
    w2 = jnp.sum(w * w, axis=1)
    z2b = z2[None, :]
    riota = lax.broadcasted_iota(jnp.int32, (_R, _T), 0)
    mv = jnp.full((_R, _T), jnp.inf, jnp.float32)
    mi = jnp.zeros((_R, _T), jnp.int32)
    for kc in range(_K // _R):
        k0 = kc * _R
        sc = lax.slice(s2, (k0, 0), (k0 + _R, _T))
        w2c = lax.slice(w2, (k0,), (k0 + _R,))
        d = (z2b - sc) + w2c[:, None]
        better = d < mv
        mv = jnp.where(better, d, mv)
        mi = jnp.where(better, riota + k0, mi)
    fmin = jnp.min(mv, axis=0)
    q_ref[0, 0] = jnp.min(jnp.where(mv == fmin[None, :], mi, _K), axis=0)


def _tc_argmin(zc, weights, w2x):
    return pl.pallas_call(
        _argmin_body,
        grid=(_N,),
        in_specs=[
            pl.BlockSpec((1, _D, _T), lambda n: (n, 0, 0)),
            pl.BlockSpec((_K, _D), lambda n: (0, 0)),
            pl.BlockSpec((_K, _D), lambda n: (0, 0)),
        ],
        out_specs=pl.BlockSpec((1, 1, _T), lambda n: (n, 0, 0)),
        out_shape=jax.ShapeDtypeStruct((_N, 1, _T), jnp.int32),
    )(zc, weights, w2x)


def _sc_gather_body(wt_hbm, q_hbm, out_hbm, idx_v, wt_v, out_v):
    cid = lax.axis_index("c")
    sid = lax.axis_index("s")
    wid = sid * 2 + cid
    n = wid // (_D // _DC)
    d0 = (wid % (_D // _DC)) * _DC
    pltpu.sync_copy(q_hbm.at[pl.ds(n * _T, _T)], idx_v)
    pltpu.sync_copy(wt_hbm.at[pl.ds(d0 * _K, _DC * _K)], wt_v)

    def j_body(j, carry):
        qv = idx_v[pl.ds(j * _L, _L)]
        for d in range(_DC):
            vals = plsc.load_gather(wt_v, [qv + jnp.int32(d * _K)])
            out_v[pl.ds(d * _T + j * _L, _L)] = vals
        return carry

    lax.fori_loop(0, _T // _L, j_body, 0)
    pltpu.sync_copy(out_v, out_hbm.at[n, pl.ds(d0 * _T, _DC * _T)])


@functools.partial(
    pl.kernel,
    mesh=plsc.VectorSubcoreMesh(core_axis_name="c", subcore_axis_name="s"),
    compiler_params=pltpu.CompilerParams(needs_layout_passes=False),
    out_type=jax.ShapeDtypeStruct((_N, _D * _T), jnp.float32),
    scratch_types=[
        pltpu.VMEM((_T,), jnp.int32),
        pltpu.VMEM((_DC * _K,), jnp.float32),
        pltpu.VMEM((_DC * _T,), jnp.float32),
    ],
)
def _sc_gather(wt_hbm, q_hbm, out_hbm, idx_v, wt_v, out_v):
    _sc_gather_body(wt_hbm, q_hbm, out_hbm, idx_v, wt_v, out_v)


def kernel(z_e, weights):
    N, D, H, W = z_e.shape
    T = H * W
    zc = z_e.reshape(N, D, T)
    q3 = _tc_argmin(zc, weights, weights * 2.0)
    zq = _sc_gather(weights.T.reshape(D * _K), q3.reshape(N * T))
    return q3.reshape(N, H, W), zq.reshape(N, D, H, W)

# --- scband reference (transcript-rebuilt; emitter-appended) ---
"""Pipeline reference for scband-vector-quantizer-23021024707206 (READ-ONLY COPY).

The authoritative reference and input builder live on the scoring server;
editing this copy changes nothing except your own understanding.
"""

import jax, jax.numpy as jnp
import numpy as np


def setup_inputs(seed: int = 0) -> dict:
    key = jax.random.key(seed)
    k1, k2 = jax.random.split(key)
    K, D = 1024, 64
    z_e = jax.random.normal(k1, (8, 64, 32, 32), dtype=jnp.float32)
    # codebook weights initialized uniform(-1/K, 1/K) as in the torch module
    weights = jax.random.uniform(k2, (K, D), dtype=jnp.float32, minval=-1.0 / K, maxval=1.0 / K)
    return {"z_e": z_e, "weights": weights}


def reference(z_e, weights):
    N, D, H, W = z_e.shape
    z = jnp.transpose(z_e, (0, 2, 3, 1)).reshape(-1, D)
    # squared L2 distances between every token and every codebook entry:
    # ||z - w||^2 = ||z||^2 - 2 z . w + ||w||^2  (same math as elementwise
    # (z[:,None]-w[None,:])**2 summed over dim=2, without the huge intermediate)
    dist = (z ** 2).sum(axis=1, keepdims=True) - 2.0 * (z @ weights.T) + (weights ** 2).sum(axis=1)[None, :]
    q = jnp.argmin(dist, axis=1)
    z_q = jnp.take(weights, q, axis=0)
    z_q = z_q.reshape(N, H, W, D)
    z_q = jnp.transpose(z_q, (0, 3, 1, 2))
    q = q.astype(jnp.int32).reshape(N, H, W)
    return (q, z_q)

if __name__ == "__main__":
    import jax
    _d = setup_inputs()
    print(jax.jit(kernel)(*tuple(_d.values())))

</pallas_src>

<mosaic_0001>
#map = affine_map<(d0, d1) -> (0)>
#map1 = affine_map<(d0, d1) -> (0, 0)>
module attributes {stable_mosaic.version = 14 : i64} {
  func.func @_sc_gather(%arg0: i32, %arg1: i32, %arg2: memref<65536xf32, #tpu.memory_space<hbm>>, %arg3: memref<8192xi32, #tpu.memory_space<hbm>>, %arg4: memref<8x65536xf32, #tpu.memory_space<hbm>>, %arg5: memref<1024xi32, #tpu.memory_space<vmem>>, %arg6: memref<16384xf32, #tpu.memory_space<vmem>>, %arg7: memref<16384xf32, #tpu.memory_space<vmem>>) attributes {dimension_semantics = [#tpu.dimension_semantics<core_parallel>, #tpu.dimension_semantics<subcore_parallel>], iteration_bounds = array<i64: 2, 16>, scalar_prefetch = 0 : i64, scratch_operands = 3 : i64, tpu.core_type = #tpu.core_type<sc_vector_subcore>, window_params = [{transform_indices = #map}, {transform_indices = #map}, {transform_indices = #map1}]} {
    %mul3A = arith.constant 2 : i32
    %mul3A_0 = arith.muli %arg1, %mul3A : i32
    %add3A = arith.addi %mul3A_0, %arg0 : i32
    %jit3A = arith.constant 4 : i32
    %div3A = arith.divsi %add3A, %jit3A : i32
    %sign3A = arith.constant 0 : i32
    %sign3A_1 = arith.cmpi sgt, %add3A, %sign3A : i32
    %sign3A_2 = arith.extui %sign3A_1 : i1 to i32
    %sign3A_3 = arith.constant 0 : i32
    %sign3A_4 = arith.cmpi slt, %add3A, %sign3A_3 : i32
    %sign3A_5 = arith.extui %sign3A_4 : i1 to i32
    %sign3A_6 = arith.subi %sign3A_2, %sign3A_5 : i32
    %sign3A_7 = arith.constant 0 : i32
    %sign3A_8 = arith.cmpi sgt, %jit3A, %sign3A_7 : i32
    %sign3A_9 = arith.extui %sign3A_8 : i1 to i32
    %sign3A_10 = arith.constant 0 : i32
    %sign3A_11 = arith.cmpi slt, %jit3A, %sign3A_10 : i32
    %sign3A_12 = arith.extui %sign3A_11 : i1 to i32
    %sign3A_13 = arith.subi %sign3A_9, %sign3A_12 : i32
    %ne3A = arith.cmpi ne, %sign3A_6, %sign3A_13 : i32
    %rem3A = arith.remsi %add3A, %jit3A : i32
    %ne3A_14 = arith.constant 0 : i32
    %ne3A_15 = arith.cmpi ne, %rem3A, %ne3A_14 : i32
    %and3A = arith.andi %ne3A, %ne3A_15 : i1
    %sub3A = arith.constant 1 : i32
    %sub3A_16 = arith.subi %div3A, %sub3A : i32
    %select_n3A = arith.select %and3A, %sub3A_16, %div3A : i32
    %jit3A_17 = arith.constant 4 : i32
    %eq3A = arith.constant 0 : i32
    %eq3A_18 = arith.cmpi eq, %jit3A_17, %eq3A : i32
    %jit3A_19 = arith.constant 1 : i32
    %select_n3A_20 = arith.select %eq3A_18, %jit3A_19, %jit3A_17 : i32
    %rem3A_21 = arith.remsi %add3A, %select_n3A_20 : i32
    %ne3A_22 = arith.constant 0 : i32
    %ne3A_23 = arith.cmpi ne, %rem3A_21, %ne3A_22 : i32
    %lt3A = arith.constant 0 : i32
    %lt3A_24 = arith.cmpi slt, %rem3A_21, %lt3A : i32
    %lt3A_25 = arith.constant 0 : i32
    %lt3A_26 = arith.cmpi slt, %select_n3A_20, %lt3A_25 : i32
    %ne3A_27 = arith.xori %lt3A_24, %lt3A_26 : i1
    %and3A_28 = arith.andi %ne3A_27, %ne3A_23 : i1
    %add3A_29 = arith.addi %rem3A_21, %select_n3A_20 : i32
    %select_n3A_30 = arith.select %and3A_28, %add3A_29, %rem3A_21 : i32
    %mul3A_31 = arith.constant 16 : i32
    %mul3A_32 = arith.muli %select_n3A_30, %mul3A_31 : i32
    %mul3A_33 = arith.constant 1024 : i32
    %mul3A_34 = arith.muli %select_n3A, %mul3A_33 : i32
    "tpu.region"() ({
      %run_scoped3A = tpu.sem_alloc : memref<!tpu.dma_semaphore, #tpu.memory_space<semaphore_mem>>
      %dma_start3A = tpu.memref_slice %arg3[%mul3A_34] : memref<8192xi32, #tpu.memory_space<hbm>> -> memref<1024xi32, #tpu.memory_space<hbm>>
      %dma_start3A_44 = tpu.memref_slice %arg3[%mul3A_34] : memref<8192xi32, #tpu.memory_space<hbm>> -> memref<1024xi32, #tpu.memory_space<hbm>>
      tpu.enqueue_dma source(%dma_start3A_44 : memref<1024xi32, #tpu.memory_space<hbm>>) target(%arg5 : memref<1024xi32, #tpu.memory_space<vmem>>) target_semaphore(%run_scoped3A : memref<!tpu.dma_semaphore, #tpu.memory_space<semaphore_mem>>)
      %dma_wait3A = tpu.memref_slice %arg3[%mul3A_34] : memref<8192xi32, #tpu.memory_space<hbm>> -> memref<1024xi32, #tpu.memory_space<hbm>>
      %dma_wait3A_45 = tpu.memref_slice %arg3[%mul3A_34] : memref<8192xi32, #tpu.memory_space<hbm>> -> memref<1024xi32, #tpu.memory_space<hbm>>
      tpu.wait_dma2 semaphore(%run_scoped3A : memref<!tpu.dma_semaphore, #tpu.memory_space<semaphore_mem>>) src(%dma_wait3A_45 : memref<1024xi32, #tpu.memory_space<hbm>>) dst(%arg5 : memref<1024xi32, #tpu.memory_space<vmem>>)
      tpu.yield
    }) : () -> ()
    %mul3A_35 = arith.constant 1024 : i32
    %mul3A_36 = arith.muli %mul3A_32, %mul3A_35 : i32
    "tpu.region"() ({
      %run_scoped3A = tpu.sem_alloc : memref<!tpu.dma_semaphore, #tpu.memory_space<semaphore_mem>>
      %dma_start3A = tpu.memref_slice %arg2[%mul3A_36] : memref<65536xf32, #tpu.memory_space<hbm>> -> memref<16384xf32, #tpu.memory_space<hbm>>
      %dma_start3A_44 = tpu.memref_slice %arg2[%mul3A_36] : memref<65536xf32, #tpu.memory_space<hbm>> -> memref<16384xf32, #tpu.memory_space<hbm>>
      tpu.enqueue_dma source(%dma_start3A_44 : memref<16384xf32, #tpu.memory_space<hbm>>) target(%arg6 : memref<16384xf32, #tpu.memory_space<vmem>>) target_semaphore(%run_scoped3A : memref<!tpu.dma_semaphore, #tpu.memory_space<semaphore_mem>>)
      %dma_wait3A = tpu.memref_slice %arg2[%mul3A_36] : memref<65536xf32, #tpu.memory_space<hbm>> -> memref<16384xf32, #tpu.memory_space<hbm>>
      %dma_wait3A_45 = tpu.memref_slice %arg2[%mul3A_36] : memref<65536xf32, #tpu.memory_space<hbm>> -> memref<16384xf32, #tpu.memory_space<hbm>>
      tpu.wait_dma2 semaphore(%run_scoped3A : memref<!tpu.dma_semaphore, #tpu.memory_space<semaphore_mem>>) src(%dma_wait3A_45 : memref<16384xf32, #tpu.memory_space<hbm>>) dst(%arg6 : memref<16384xf32, #tpu.memory_space<vmem>>)
      tpu.yield
    }) : () -> ()
    %scan3A = arith.constant 0 : i32
    %scan3A_37 = arith.constant 0 : i32
    %scan3A_38 = arith.constant 64 : i32
    %scan3A_39 = arith.addi %scan3A_37, %scan3A_38 : i32
    %scan3A_40 = arith.constant 1 : i32
    scf.for %scan3A_44 = %scan3A_37 to %scan3A_39 step %scan3A_40  : i32 {
      %mul3A_45 = arith.constant 16 : i32
      %mul3A_46 = arith.muli %scan3A_44, %mul3A_45 : i32
      %get3A = arith.index_cast %mul3A_46 : i32 to index
      %get3A_47 = tpu.vector_load %arg5[%get3A] {strides = array<i32>} : memref<1024xi32, #tpu.memory_space<vmem>>, vector<16xi32>,
      %add3A_48 = arith.constant 0 : i32
      %add3A_49 = vector.broadcast %add3A_48 : i32 to vector<16xi32>
      %add3A_50 = arith.addi %get3A_47, %add3A_49 : vector<16xi32>
      %gather3A = tpu.vector_load_idx %arg6[%add3A_50] : memref<16384xf32, #tpu.memory_space<vmem>>[vector<16xi32>], vector<16xf32>,
      %mul3A_51 = arith.constant 16 : i32
      %mul3A_52 = arith.muli %scan3A_44, %mul3A_51 : i32
      %add3A_53 = arith.constant 0 : i32
      %add3A_54 = arith.addi %add3A_53, %mul3A_52 : i32
      %swap3A = arith.index_cast %add3A_54 : i32 to index
      %swap3A_55 = tpu.vector_load %arg7[%swap3A] {strides = array<i32>} : memref<16384xf32, #tpu.memory_space<vmem>>, vector<16xf32>,
      tpu.vector_store %arg7[%swap3A], %gather3A {strides = array<i32>} : memref<16384xf32, #tpu.memory_space<vmem>>, vector<16xf32>,
      %add3A_56 = arith.constant 1024 : i32
      %add3A_57 = vector.broadcast %add3A_56 : i32 to vector<16xi32>
      %add3A_58 = arith.addi %get3A_47, %add3A_57 : vector<16xi32>
      %gather3A_59 = tpu.vector_load_idx %arg6[%add3A_58] : memref<16384xf32, #tpu.memory_space<vmem>>[vector<16xi32>], vector<16xf32>,
      %mul3A_60 = arith.constant 16 : i32
      %mul3A_61 = arith.muli %scan3A_44, %mul3A_60 : i32
      %add3A_62 = arith.constant 1024 : i32
      %add3A_63 = arith.addi %add3A_62, %mul3A_61 : i32
      %swap3A_64 = arith.index_cast %add3A_63 : i32 to index
      %swap3A_65 = tpu.vector_load %arg7[%swap3A_64] {strides = array<i32>} : memref<16384xf32, #tpu.memory_space<vmem>>, vector<16xf32>,
      tpu.vector_store %arg7[%swap3A_64], %gather3A_59 {strides = array<i32>} : memref<16384xf32, #tpu.memory_space<vmem>>, vector<16xf32>,
      %add3A_66 = arith.constant 2048 : i32
      %add3A_67 = vector.broadcast %add3A_66 : i32 to vector<16xi32>
      %add3A_68 = arith.addi %get3A_47, %add3A_67 : vector<16xi32>
      %gather3A_69 = tpu.vector_load_idx %arg6[%add3A_68] : memref<16384xf32, #tpu.memory_space<vmem>>[vector<16xi32>], vector<16xf32>,
      %mul3A_70 = arith.constant 16 : i32
      %mul3A_71 = arith.muli %scan3A_44, %mul3A_70 : i32
      %add3A_72 = arith.constant 2048 : i32
      %add3A_73 = arith.addi %add3A_72, %mul3A_71 : i32
      %swap3A_74 = arith.index_cast %add3A_73 : i32 to index
      %swap3A_75 = tpu.vector_load %arg7[%swap3A_74] {strides = array<i32>} : memref<16384xf32, #tpu.memory_space<vmem>>, vector<16xf32>,
      tpu.vector_store %arg7[%swap3A_74], %gather3A_69 {strides = array<i32>} : memref<16384xf32, #tpu.memory_space<vmem>>, vector<16xf32>,
      %add3A_76 = arith.constant 3072 : i32
      %add3A_77 = vector.broadcast %add3A_76 : i32 to vector<16xi32>
      %add3A_78 = arith.addi %get3A_47, %add3A_77 : vector<16xi32>
      %gather3A_79 = tpu.vector_load_idx %arg6[%add3A_78] : memref<16384xf32, #tpu.memory_space<vmem>>[vector<16xi32>], vector<16xf32>,
      %mul3A_80 = arith.constant 16 : i32
      %mul3A_81 = arith.muli %scan3A_44, %mul3A_80 : i32
      %add3A_82 = arith.constant 3072 : i32
      %add3A_83 = arith.addi %add3A_82, %mul3A_81 : i32
      %swap3A_84 = arith.index_cast %add3A_83 : i32 to index
      %swap3A_85 = tpu.vector_load %arg7[%swap3A_84] {strides = array<i32>} : memref<16384xf32, #tpu.memory_space<vmem>>, vector<16xf32>,
      tpu.vector_store %arg7[%swap3A_84], %gather3A_79 {strides = array<i32>} : memref<16384xf32, #tpu.memory_space<vmem>>, vector<16xf32>,
      %add3A_86 = arith.constant 4096 : i32
      %add3A_87 = vector.broadcast %add3A_86 : i32 to vector<16xi32>
      %add3A_88 = arith.addi %get3A_47, %add3A_87 : vector<16xi32>
      %gather3A_89 = tpu.vector_load_idx %arg6[%add3A_88] : memref<16384xf32, #tpu.memory_space<vmem>>[vector<16xi32>], vector<16xf32>,
      %mul3A_90 = arith.constant 16 : i32
      %mul3A_91 = arith.muli %scan3A_44, %mul3A_90 : i32
      %add3A_92 = arith.constant 4096 : i32
      %add3A_93 = arith.addi %add3A_92, %mul3A_91 : i32
      %swap3A_94 = arith.index_cast %add3A_93 : i32 to index
      %swap3A_95 = tpu.vector_load %arg7[%swap3A_94] {strides = array<i32>} : memref<16384xf32, #tpu.memory_space<vmem>>, vector<16xf32>,
      tpu.vector_store %arg7[%swap3A_94], %gather3A_89 {strides = array<i32>} : memref<16384xf32, #tpu.memory_space<vmem>>, vector<16xf32>,
      %add3A_96 = arith.constant 5120 : i32
      %add3A_97 = vector.broadcast %add3A_96 : i32 to vector<16xi32>
      %add3A_98 = arith.addi %get3A_47, %add3A_97 : vector<16xi32>
      %gather3A_99 = tpu.vector_load_idx %arg6[%add3A_98] : memref<16384xf32, #tpu.memory_space<vmem>>[vector<16xi32>], vector<16xf32>,
      %mul3A_100 = arith.constant 16 : i32
      %mul3A_101 = arith.muli %scan3A_44, %mul3A_100 : i32
      %add3A_102 = arith.constant 5120 : i32
      %add3A_103 = arith.addi %add3A_102, %mul3A_101 : i32
      %swap3A_104 = arith.index_cast %add3A_103 : i32 to index
      %swap3A_105 = tpu.vector_load %arg7[%swap3A_104] {strides = array<i32>} : memref<16384xf32, #tpu.memory_space<vmem>>, vector<16xf32>,
      tpu.vector_store %arg7[%swap3A_104], %gather3A_99 {strides = array<i32>} : memref<16384xf32, #tpu.memory_space<vmem>>, vector<16xf32>,
      %add3A_106 = arith.constant 6144 : i32
      %add3A_107 = vector.broadcast %add3A_106 : i32 to vector<16xi32>
      %add3A_108 = arith.addi %get3A_47, %add3A_107 : vector<16xi32>
      %gather3A_109 = tpu.vector_load_idx %arg6[%add3A_108] : memref<16384xf32, #tpu.memory_space<vmem>>[vector<16xi32>], vector<16xf32>,
      %mul3A_110 = arith.constant 16 : i32
      %mul3A_111 = arith.muli %scan3A_44, %mul3A_110 : i32
      %add3A_112 = arith.constant 6144 : i32
      %add3A_113 = arith.addi %add3A_112, %mul3A_111 : i32
      %swap3A_114 = arith.index_cast %add3A_113 : i32 to index
      %swap3A_115 = tpu.vector_load %arg7[%swap3A_114] {strides = array<i32>} : memref<16384xf32, #tpu.memory_space<vmem>>, vector<16xf32>,
      tpu.vector_store %arg7[%swap3A_114], %gather3A_109 {strides = array<i32>} : memref<16384xf32, #tpu.memory_space<vmem>>, vector<16xf32>,
      %add3A_116 = arith.constant 7168 : i32
      %add3A_117 = vector.broadcast %add3A_116 : i32 to vector<16xi32>
      %add3A_118 = arith.addi %get3A_47, %add3A_117 : vector<16xi32>
      %gather3A_119 = tpu.vector_load_idx %arg6[%add3A_118] : memref<16384xf32, #tpu.memory_space<vmem>>[vector<16xi32>], vector<16xf32>,
      %mul3A_120 = arith.constant 16 : i32
      %mul3A_121 = arith.muli %scan3A_44, %mul3A_120 : i32
      %add3A_122 = arith.constant 7168 : i32
      %add3A_123 = arith.addi %add3A_122, %mul3A_121 : i32
      %swap3A_124 = arith.index_cast %add3A_123 : i32 to index
      %swap3A_125 = tpu.vector_load %arg7[%swap3A_124] {strides = array<i32>} : memref<16384xf32, #tpu.memory_space<vmem>>, vector<16xf32>,
      tpu.vector_store %arg7[%swap3A_124], %gather3A_119 {strides = array<i32>} : memref<16384xf32, #tpu.memory_space<vmem>>, vector<16xf32>,
      %add3A_126 = arith.constant 8192 : i32
      %add3A_127 = vector.broadcast %add3A_126 : i32 to vector<16xi32>
      %add3A_128 = arith.addi %get3A_47, %add3A_127 : vector<16xi32>
      %gather3A_129 = tpu.vector_load_idx %arg6[%add3A_128] : memref<16384xf32, #tpu.memory_space<vmem>>[vector<16xi32>], vector<16xf32>,
      %mul3A_130 = arith.constant 16 : i32
      %mul3A_131 = arith.muli %scan3A_44, %mul3A_130 : i32
      %add3A_132 = arith.constant 8192 : i32
      %add3A_133 = arith.addi %add3A_132, %mul3A_131 : i32
      %swap3A_134 = arith.index_cast %add3A_133 : i32 to index
      %swap3A_135 = tpu.vector_load %arg7[%swap3A_134] {strides = array<i32>} : memref<16384xf32, #tpu.memory_space<vmem>>, vector<16xf32>,
      tpu.vector_store %arg7[%swap3A_134], %gather3A_129 {strides = array<i32>} : memref<16384xf32, #tpu.memory_space<vmem>>, vector<16xf32>,
      %add3A_136 = arith.constant 9216 : i32
      %add3A_137 = vector.broadcast %add3A_136 : i32 to vector<16xi32>
      %add3A_138 = arith.addi %get3A_47, %add3A_137 : vector<16xi32>
      %gather3A_139 = tpu.vector_load_idx %arg6[%add3A_138] : memref<16384xf32, #tpu.memory_space<vmem>>[vector<16xi32>], vector<16xf32>,
      %mul3A_140 = arith.constant 16 : i32
      %mul3A_141 = arith.muli %scan3A_44, %mul3A_140 : i32
      %add3A_142 = arith.constant 9216 : i32
      %add3A_143 = arith.addi %add3A_142, %mul3A_141 : i32
      %swap3A_144 = arith.index_cast %add3A_143 : i32 to index
      %swap3A_145 = tpu.vector_load %arg7[%swap3A_144] {strides = array<i32>} : memref<16384xf32, #tpu.memory_space<vmem>>, vector<16xf32>,
      tpu.vector_store %arg7[%swap3A_144], %gather3A_139 {strides = array<i32>} : memref<16384xf32, #tpu.memory_space<vmem>>, vector<16xf32>,
      %add3A_146 = arith.constant 10240 : i32
      %add3A_147 = vector.broadcast %add3A_146 : i32 to vector<16xi32>
      %add3A_148 = arith.addi %get3A_47, %add3A_147 : vector<16xi32>
      %gather3A_149 = tpu.vector_load_idx %arg6[%add3A_148] : memref<16384xf32, #tpu.memory_space<vmem>>[vector<16xi32>], vector<16xf32>,
      %mul3A_150 = arith.constant 16 : i32
      %mul3A_151 = arith.muli %scan3A_44, %mul3A_150 : i32
      %add3A_152 = arith.constant 10240 : i32
      %add3A_153 = arith.addi %add3A_152, %mul3A_151 : i32
      %swap3A_154 = arith.index_cast %add3A_153 : i32 to index
      %swap3A_155 = tpu.vector_load %arg7[%swap3A_154] {strides = array<i32>} : memref<16384xf32, #tpu.memory_space<vmem>>, vector<16xf32>,
      tpu.vector_store %arg7[%swap3A_154], %gather3A_149 {strides = array<i32>} : memref<16384xf32, #tpu.memory_space<vmem>>, vector<16xf32>,
      %add3A_156 = arith.constant 11264 : i32
      %add3A_157 = vector.broadcast %add3A_156 : i32 to vector<16xi32>
      %add3A_158 = arith.addi %get3A_47, %add3A_157 : vector<16xi32>
      %gather3A_159 = tpu.vector_load_idx %arg6[%add3A_158] : memref<16384xf32, #tpu.memory_space<vmem>>[vector<16xi32>], vector<16xf32>,
      %mul3A_160 = arith.constant 16 : i32
      %mul3A_161 = arith.muli %scan3A_44, %mul3A_160 : i32
      %add3A_162 = arith.constant 11264 : i32
      %add3A_163 = arith.addi %add3A_162, %mul3A_161 : i32
      %swap3A_164 = arith.index_cast %add3A_163 : i32 to index
      %swap3A_165 = tpu.vector_load %arg7[%swap3A_164] {strides = array<i32>} : memref<16384xf32, #tpu.memory_space<vmem>>, vector<16xf32>,
      tpu.vector_store %arg7[%swap3A_164], %gather3A_159 {strides = array<i32>} : memref<16384xf32, #tpu.memory_space<vmem>>, vector<16xf32>,
      %add3A_166 = arith.constant 12288 : i32
      %add3A_167 = vector.broadcast %add3A_166 : i32 to vector<16xi32>
      %add3A_168 = arith.addi %get3A_47, %add3A_167 : vector<16xi32>
      %gather3A_169 = tpu.vector_load_idx %arg6[%add3A_168] : memref<16384xf32, #tpu.memory_space<vmem>>[vector<16xi32>], vector<16xf32>,
      %mul3A_170 = arith.constant 16 : i32
      %mul3A_171 = arith.muli %scan3A_44, %mul3A_170 : i32
      %add3A_172 = arith.constant 12288 : i32
      %add3A_173 = arith.addi %add3A_172, %mul3A_171 : i32
      %swap3A_174 = arith.index_cast %add3A_173 : i32 to index
      %swap3A_175 = tpu.vector_load %arg7[%swap3A_174] {strides = array<i32>} : memref<16384xf32, #tpu.memory_space<vmem>>, vector<16xf32>,
      tpu.vector_store %arg7[%swap3A_174], %gather3A_169 {strides = array<i32>} : memref<16384xf32, #tpu.memory_space<vmem>>, vector<16xf32>,
      %add3A_176 = arith.constant 13312 : i32
      %add3A_177 = vector.broadcast %add3A_176 : i32 to vector<16xi32>
      %add3A_178 = arith.addi %get3A_47, %add3A_177 : vector<16xi32>
      %gather3A_179 = tpu.vector_load_idx %arg6[%add3A_178] : memref<16384xf32, #tpu.memory_space<vmem>>[vector<16xi32>], vector<16xf32>,
      %mul3A_180 = arith.constant 16 : i32
      %mul3A_181 = arith.muli %scan3A_44, %mul3A_180 : i32
      %add3A_182 = arith.constant 13312 : i32
      %add3A_183 = arith.addi %add3A_182, %mul3A_181 : i32
      %swap3A_184 = arith.index_cast %add3A_183 : i32 to index
      %swap3A_185 = tpu.vector_load %arg7[%swap3A_184] {strides = array<i32>} : memref<16384xf32, #tpu.memory_space<vmem>>, vector<16xf32>,
      tpu.vector_store %arg7[%swap3A_184], %gather3A_179 {strides = array<i32>} : memref<16384xf32, #tpu.memory_space<vmem>>, vector<16xf32>,
      %add3A_186 = arith.constant 14336 : i32
      %add3A_187 = vector.broadcast %add3A_186 : i32 to vector<16xi32>
      %add3A_188 = arith.addi %get3A_47, %add3A_187 : vector<16xi32>
      %gather3A_189 = tpu.vector_load_idx %arg6[%add3A_188] : memref<16384xf32, #tpu.memory_space<vmem>>[vector<16xi32>], vector<16xf32>,
      %mul3A_190 = arith.constant 16 : i32
      %mul3A_191 = arith.muli %scan3A_44, %mul3A_190 : i32
      %add3A_192 = arith.constant 14336 : i32
      %add3A_193 = arith.addi %add3A_192, %mul3A_191 : i32
      %swap3A_194 = arith.index_cast %add3A_193 : i32 to index
      %swap3A_195 = tpu.vector_load %arg7[%swap3A_194] {strides = array<i32>} : memref<16384xf32, #tpu.memory_space<vmem>>, vector<16xf32>,
      tpu.vector_store %arg7[%swap3A_194], %gather3A_189 {strides = array<i32>} : memref<16384xf32, #tpu.memory_space<vmem>>, vector<16xf32>,
      %add3A_196 = arith.constant 15360 : i32
      %add3A_197 = vector.broadcast %add3A_196 : i32 to vector<16xi32>
      %add3A_198 = arith.addi %get3A_47, %add3A_197 : vector<16xi32>
      %gather3A_199 = tpu.vector_load_idx %arg6[%add3A_198] : memref<16384xf32, #tpu.memory_space<vmem>>[vector<16xi32>], vector<16xf32>,
      %mul3A_200 = arith.constant 16 : i32
      %mul3A_201 = arith.muli %scan3A_44, %mul3A_200 : i32
      %add3A_202 = arith.constant 15360 : i32
      %add3A_203 = arith.addi %add3A_202, %mul3A_201 : i32
      %swap3A_204 = arith.index_cast %add3A_203 : i32 to index
      %swap3A_205 = tpu.vector_load %arg7[%swap3A_204] {strides = array<i32>} : memref<16384xf32, #tpu.memory_space<vmem>>, vector<16xf32>,
      tpu.vector_store %arg7[%swap3A_204], %gather3A_199 {strides = array<i32>} : memref<16384xf32, #tpu.memory_space<vmem>>, vector<16xf32>,
    }
    %scan3A_41 = arith.constant 64 : i32
    %mul3A_42 = arith.constant 1024 : i32
    %mul3A_43 = arith.muli %mul3A_32, %mul3A_42 : i32
    "tpu.region"() ({
      %run_scoped3A = tpu.sem_alloc : memref<!tpu.dma_semaphore, #tpu.memory_space<semaphore_mem>>
      %dma_start3A = tpu.memref_slice %arg4[%select_n3A, %mul3A_43] : memref<8x65536xf32, #tpu.memory_space<hbm>> -> memref<1x16384xf32, #tpu.memory_space<hbm>>
      %dma_start3A_44 = tpu.memref_squeeze %dma_start3A : memref<1x16384xf32, #tpu.memory_space<hbm>> -> memref<16384xf32, #tpu.memory_space<hbm>>
      %dma_start3A_45 = tpu.memref_slice %arg4[%select_n3A, %mul3A_43] : memref<8x65536xf32, #tpu.memory_space<hbm>> -> memref<1x16384xf32, #tpu.memory_space<hbm>>
      %dma_start3A_46 = tpu.memref_squeeze %dma_start3A_45 : memref<1x16384xf32, #tpu.memory_space<hbm>> -> memref<16384xf32, #tpu.memory_space<hbm>>
      tpu.enqueue_dma source(%arg7 : memref<16384xf32, #tpu.memory_space<vmem>>) target(%dma_start3A_46 : memref<16384xf32, #tpu.memory_space<hbm>>) target_semaphore(%run_scoped3A : memref<!tpu.dma_semaphore, #tpu.memory_space<semaphore_mem>>)
      %dma_wait3A = tpu.memref_slice %arg4[%select_n3A, %mul3A_43] : memref<8x65536xf32, #tpu.memory_space<hbm>> -> memref<1x16384xf32, #tpu.memory_space<hbm>>
      %dma_wait3A_47 = tpu.memref_squeeze %dma_wait3A : memref<1x16384xf32, #tpu.memory_space<hbm>> -> memref<16384xf32, #tpu.memory_space<hbm>>
      %dma_wait3A_48 = tpu.memref_slice %arg4[%select_n3A, %mul3A_43] : memref<8x65536xf32, #tpu.memory_space<hbm>> -> memref<1x16384xf32, #tpu.memory_space<hbm>>
      %dma_wait3A_49 = tpu.memref_squeeze %dma_wait3A_48 : memref<1x16384xf32, #tpu.memory_space<hbm>> -> memref<16384xf32, #tpu.memory_space<hbm>>
      tpu.wait_dma2 semaphore(%run_scoped3A : memref<!tpu.dma_semaphore, #tpu.memory_space<semaphore_mem>>) src(%arg7 : memref<16384xf32, #tpu.memory_space<vmem>>) dst(%dma_wait3A_49 : memref<16384xf32, #tpu.memory_space<hbm>>)
      tpu.yield
    }) : () -> ()
    return
  }
}

module attributes {stable_mosaic.version = 14 : i64} {
  func.func @_argmin_body(%arg0: i32, %arg1: memref<1x64x1024xf32, #tpu.memory_space<vmem>>, %arg2: memref<1024x64xf32, #tpu.memory_space<vmem>>, %arg3: memref<1024x64xf32, #tpu.memory_space<vmem>>, %arg4: memref<1x1x1024xi32, #tpu.memory_space<vmem>>) attributes {dimension_semantics = [#tpu.dimension_semantics<arbitrary>], iteration_bounds = array<i64: 8>, scalar_prefetch = 0 : i64, scratch_operands = 0 : i64, tpu.core_type = #tpu.core_type<tc>, window_params = [{transform_indices = @transform_0, window_bounds = array<i64: 1, 64, 1024>}, {pipeline_mode = #tpu.pipeline_mode<synchronous>, transform_indices = @transform_1, window_bounds = array<i64: 1024, 64>}, {pipeline_mode = #tpu.pipeline_mode<synchronous>, transform_indices = @transform_2, window_bounds = array<i64: 1024, 64>}, {transform_indices = @transform_3, window_bounds = array<i64: 1, 1, 1024>}]} {
    %get3A = arith.constant 0 : index
    %get3A_0 = arith.constant 0 : index
    %get3A_1 = arith.constant 0 : index
    %get3A_2 = vector.load %arg1[%get3A, %get3A_0, %get3A_1] : memref<1x64x1024xf32, #tpu.memory_space<vmem>>, vector<1x64x1024xf32>
    %get3A_3 = vector.shape_cast %get3A_2 : vector<1x64x1024xf32> to vector<64x1024xf32>
    %get3A_4 = arith.constant 0 : index
    %get3A_5 = arith.constant 0 : index
    %get3A_6 = vector.load %arg2[%get3A_4, %get3A_5] : memref<1024x64xf32, #tpu.memory_space<vmem>>, vector<1024x64xf32>
    %get3A_7 = arith.constant 0 : index
    %get3A_8 = arith.constant 0 : index
    %get3A_9 = vector.load %arg3[%get3A_7, %get3A_8] : memref<1024x64xf32, #tpu.memory_space<vmem>>, vector<1024x64xf32>
    %dot_general3A = arith.constant dense<0.000000e+00> : vector<1024x1024xf32>
    %dot_general3A_10 = tpu.matmul %get3A_9, %get3A_3, %dot_general3A {dimension_numbers = #tpu.dot_dimension_numbers<[1], [0], [0], [1], [0, 0, 1, 1], [], []>, transpose_lhs_hint = false} : vector<1024x64xf32>, vector<64x1024xf32>, vector<1024x1024xf32> -> vector<1024x1024xf32>
    %mul3A = arith.mulf %get3A_3, %get3A_3 : vector<64x1024xf32>
    %reduce_sum3A = arith.constant dense<0.000000e+00> : vector<1024xf32>
    %reduce_sum3A_11 = vector.multi_reduction <add>, %mul3A, %reduce_sum3A [0] : vector<64x1024xf32> to vector<1024xf32>
    %mul3A_12 = arith.mulf %get3A_6, %get3A_6 : vector<1024x64xf32>
    %reduce_sum3A_13 = arith.constant dense<0.000000e+00> : vector<1024xf32>
    %reduce_sum3A_14 = vector.multi_reduction <add>, %mul3A_12, %reduce_sum3A_13 [1] : vector<1024x64xf32> to vector<1024xf32>
    %broadcast_in_dim3A = vector.shape_cast %reduce_sum3A_11 : vector<1024xf32> to vector<1x1024xf32>
    %iota3A = tpu.iota {dimensions = array<i32: 0>} : vector<8x1024xi32>
    %broadcast_in_dim3A_15 = arith.constant 0x7F800000 : f32
    %broadcast_in_dim3A_16 = vector.broadcast %broadcast_in_dim3A_15 : f32 to vector<8x1024xf32>
    %broadcast_in_dim3A_17 = arith.constant 0 : i32
    %broadcast_in_dim3A_18 = vector.broadcast %broadcast_in_dim3A_17 : i32 to vector<8x1024xi32>
    %slice3A = vector.extract_strided_slice %dot_general3A_10 {offsets = [0, 0], sizes = [8, 1024], strides = [1, 1]} : vector<1024x1024xf32> to vector<8x1024xf32>
    %slice3A_19 = vector.extract_strided_slice %reduce_sum3A_14 {offsets = [0], sizes = [8], strides = [1]} : vector<1024xf32> to vector<8xf32>
    %sub3A = vector.broadcast %broadcast_in_dim3A : vector<1x1024xf32> to vector<8x1024xf32>
    %sub3A_20 = arith.subf %sub3A, %slice3A : vector<8x1024xf32>
    %broadcast_in_dim3A_21 = vector.shape_cast %slice3A_19 : vector<8xf32> to vector<8x1xf32>
    %add3A = vector.broadcast %broadcast_in_dim3A_21 : vector<8x1xf32> to vector<8x1024xf32>
    %add3A_22 = arith.addf %sub3A_20, %add3A : vector<8x1024xf32>
    %lt3A = arith.cmpf olt, %add3A_22, %broadcast_in_dim3A_16 : vector<8x1024xf32>
    %select_n3A = arith.select %lt3A, %add3A_22, %broadcast_in_dim3A_16 : vector<8x1024xi1>, vector<8x1024xf32>
    %add3A_23 = arith.constant 0 : i32
    %add3A_24 = vector.broadcast %add3A_23 : i32 to vector<8x1024xi32>
    %add3A_25 = arith.addi %iota3A, %add3A_24 : vector<8x1024xi32>
    %select_n3A_26 = arith.select %lt3A, %add3A_25, %broadcast_in_dim3A_18 : vector<8x1024xi1>, vector<8x1024xi32>
    %slice3A_27 = vector.extract_strided_slice %dot_general3A_10 {offsets = [8, 0], sizes = [8, 1024], strides = [1, 1]} : vector<1024x1024xf32> to vector<8x1024xf32>
    %slice3A_28 = vector.extract_strided_slice %reduce_sum3A_14 {offsets = [8], sizes = [8], strides = [1]} : vector<1024xf32> to vector<8xf32>
    %sub3A_29 = vector.broadcast %broadcast_in_dim3A : vector<1x1024xf32> to vector<8x1024xf32>
    %sub3A_30 = arith.subf %sub3A_29, %slice3A_27 : vector<8x1024xf32>
    %broadcast_in_dim3A_31 = vector.shape_cast %slice3A_28 : vector<8xf32> to vector<8x1xf32>
    %add3A_32 = vector.broadcast %broadcast_in_dim3A_31 : vector<8x1xf32> to vector<8x1024xf32>
    %add3A_33 = arith.addf %sub3A_30, %add3A_32 : vector<8x1024xf32>
    %lt3A_34 = arith.cmpf olt, %add3A_33, %select_n3A : vector<8x1024xf32>
    %select_n3A_35 = arith.select %lt3A_34, %add3A_33, %select_n3A : vector<8x1024xi1>, vector<8x1024xf32>
    %add3A_36 = arith.constant 8 : i32
    %add3A_37 = vector.broadcast %add3A_36 : i32 to vector<8x1024xi32>
    %add3A_38 = arith.addi %iota3A, %add3A_37 : vector<8x1024xi32>
    %select_n3A_39 = arith.select %lt3A_34, %add3A_38, %select_n3A_26 : vector<8x1024xi1>, vector<8x1024xi32>
    %slice3A_40 = vector.extract_strided_slice %dot_general3A_10 {offsets = [16, 0], sizes = [8, 1024], strides = [1, 1]} : vector<1024x1024xf32> to vector<8x1024xf32>
    %slice3A_41 = vector.extract_strided_slice %reduce_sum3A_14 {offsets = [16], sizes = [8], strides = [1]} : vector<1024xf32> to vector<8xf32>
    %sub3A_42 = vector.broadcast %broadcast_in_dim3A : vector<1x1024xf32> to vector<8x1024xf32>
    %sub3A_43 = arith.subf %sub3A_42, %slice3A_40 : vector<8x1024xf32>
    %broadcast_in_dim3A_44 = vector.shape_cast %slice3A_41 : vector<8xf32> to vector<8x1xf32>
    %add3A_45 = vector.broadcast %broadcast_in_dim3A_44 : vector<8x1xf32> to vector<8x1024xf32>
    %add3A_46 = arith.addf %sub3A_43, %add3A_45 : vector<8x1024xf32>
    %lt3A_47 = arith.cmpf olt, %add3A_46, %select_n3A_35 : vector<8x1024xf32>
    %select_n3A_48 = arith.select %lt3A_47, %add3A_46, %select_n3A_35 : vector<8x1024xi1>, vector<8x1024xf32>
    %add3A_49 = arith.constant 16 : i32
    %add3A_50 = vector.broadcast %add3A_49 : i32 to vector<8x1024xi32>
    %add3A_51 = arith.addi %iota3A, %add3A_50 : vector<8x1024xi32>
    %select_n3A_52 = arith.select %lt3A_47, %add3A_51, %select_n3A_39 : vector<8x1024xi1>, vector<8x1024xi32>
    %slice3A_53 = vector.extract_strided_slice %dot_general3A_10 {offsets = [24, 0], sizes = [8, 1024], strides = [1, 1]} : vector<1024x1024xf32> to vector<8x1024xf32>
    %slice3A_54 = vector.extract_strided_slice %reduce_sum3A_14 {offsets = [24], sizes = [8], strides = [1]} : vector<1024xf32> to vector<8xf32>
    %sub3A_55 = vector.broadcast %broadcast_in_dim3A : vector<1x1024xf32> to vector<8x1024xf32>
    %sub3A_56 = arith.subf %sub3A_55, %slice3A_53 : vector<8x1024xf32>
    %broadcast_in_dim3A_57 = vector.shape_cast %slice3A_54 : vector<8xf32> to vector<8x1xf32>
    %add3A_58 = vector.broadcast %broadcast_in_dim3A_57 : vector<8x1xf32> to vector<8x1024xf32>
    %add3A_59 = arith.addf %sub3A_56, %add3A_58 : vector<8x1024xf32>
    %lt3A_60 = arith.cmpf olt, %add3A_59, %select_n3A_48 : vector<8x1024xf32>
    %select_n3A_61 = arith.select %lt3A_60, %add3A_59, %select_n3A_48 : vector<8x1024xi1>, vector<8x1024xf32>
    %add3A_62 = arith.constant 24 : i32
    %add3A_63 = vector.broadcast %add3A_62 : i32 to vector<8x1024xi32>
    %add3A_64 = arith.addi %iota3A, %add3A_63 : vector<8x1024xi32>
    %select_n3A_65 = arith.select %lt3A_60, %add3A_64, %select_n3A_52 : vector<8x1024xi1>, vector<8x1024xi32>
    %slice3A_66 = vector.extract_strided_slice %dot_general3A_10 {offsets = [32, 0], sizes = [8, 1024], strides = [1, 1]} : vector<1024x1024xf32> to vector<8x1024xf32>
    %slice3A_67 = vector.extract_strided_slice %reduce_sum3A_14 {offsets = [32], sizes = [8], strides = [1]} : vector<1024xf32> to vector<8xf32>
    %sub3A_68 = vector.broadcast %broadcast_in_dim3A : vector<1x1024xf32> to vector<8x1024xf32>
    %sub3A_69 = arith.subf %sub3A_68, %slice3A_66 : vector<8x1024xf32>
    %broadcast_in_dim3A_70 = vector.shape_cast %slice3A_67 : vector<8xf32> to vector<8x1xf32>
    %add3A_71 = vector.broadcast %broadcast_in_dim3A_70 : vector<8x1xf32> to vector<8x1024xf32>
    %add3A_72 = arith.addf %sub3A_69, %add3A_71 : vector<8x1024xf32>
    %lt3A_73 = arith.cmpf olt, %add3A_72, %select_n3A_61 : vector<8x1024xf32>
    %select_n3A_74 = arith.select %lt3A_73, %add3A_72, %select_n3A_61 : vector<8x1024xi1>, vector<8x1024xf32>
    %add3A_75 = arith.constant 32 : i32
    %add3A_76 = vector.broadcast %add3A_75 : i32 to vector<8x1024xi32>
    %add3A_77 = arith.addi %iota3A, %add3A_76 : vector<8x1024xi32>
    %select_n3A_78 = arith.select %lt3A_73, %add3A_77, %select_n3A_65 : vector<8x1024xi1>, vector<8x1024xi32>
    %slice3A_79 = vector.extract_strided_slice %dot_general3A_10 {offsets = [40, 0], sizes = [8, 1024], strides = [1, 1]} : vector<1024x1024xf32> to vector<8x1024xf32>
    %slice3A_80 = vector.extract_strided_slice %reduce_sum3A_14 {offsets = [40], sizes = [8], strides = [1]} : vector<1024xf32> to vector<8xf32>
    %sub3A_81 = vector.broadcast %broadcast_in_dim3A : vector<1x1024xf32> to vector<8x1024xf32>
    %sub3A_82 = arith.subf %sub3A_81, %slice3A_79 : vector<8x1024xf32>
    %broadcast_in_dim3A_83 = vector.shape_cast %slice3A_80 : vector<8xf32> to vector<8x1xf32>
    %add3A_84 = vector.broadcast %broadcast_in_dim3A_83 : vector<8x1xf32> to vector<8x1024xf32>
    %add3A_85 = arith.addf %sub3A_82, %add3A_84 : vector<8x1024xf32>
    %lt3A_86 = arith.cmpf olt, %add3A_85, %select_n3A_74 : vector<8x1024xf32>
    %select_n3A_87 = arith.select %lt3A_86, %add3A_85, %select_n3A_74 : vector<8x1024xi1>, vector<8x1024xf32>
    %add3A_88 = arith.constant 40 : i32
    %add3A_89 = vector.broadcast %add3A_88 : i32 to vector<8x1024xi32>
    %add3A_90 = arith.addi %iota3A, %add3A_89 : vector<8x1024xi32>
    %select_n3A_91 = arith.select %lt3A_86, %add3A_90, %select_n3A_78 : vector<8x1024xi1>, vector<8x1024xi32>
    %slice3A_92 = vector.extract_strided_slice %dot_general3A_10 {offsets = [48, 0], sizes = [8, 1024], strides = [1, 1]} : vector<1024x1024xf32> to vector<8x1024xf32>
    %slice3A_93 = vector.extract_strided_slice %reduce_sum3A_14 {offsets = [48], sizes = [8], strides = [1]} : vector<1024xf32> to vector<8xf32>
    %sub3A_94 = vector.broadcast %broadcast_in_dim3A : vector<1x1024xf32> to vector<8x1024xf32>
    %sub3A_95 = arith.subf %sub3A_94, %slice3A_92 : vector<8x1024xf32>
    %broadcast_in_dim3A_96 = vector.shape_cast %slice3A_93 : vector<8xf32> to vector<8x1xf32>
    %add3A_97 = vector.broadcast %broadcast_in_dim3A_96 : vector<8x1xf32> to vector<8x1024xf32>
    %add3A_98 = arith.addf %sub3A_95, %add3A_97 : vector<8x1024xf32>
    %lt3A_99 = arith.cmpf olt, %add3A_98, %select_n3A_87 : vector<8x1024xf32>
    %select_n3A_100 = arith.select %lt3A_99, %add3A_98, %select_n3A_87 : vector<8x1024xi1>, vector<8x1024xf32>
    %add3A_101 = arith.constant 48 : i32
    %add3A_102 = vector.broadcast %add3A_101 : i32 to vector<8x1024xi32>
    %add3A_103 = arith.addi %iota3A, %add3A_102 : vector<8x1024xi32>
    %select_n3A_104 = arith.select %lt3A_99, %add3A_103, %select_n3A_91 : vector<8x1024xi1>, vector<8x1024xi32>
    %slice3A_105 = vector.extract_strided_slice %dot_general3A_10 {offsets = [56, 0], sizes = [8, 1024], strides = [1, 1]} : vector<1024x1024xf32> to vector<8x1024xf32>
    %slice3A_106 = vector.extract_strided_slice %reduce_sum3A_14 {offsets = [56], sizes = [8], strides = [1]} : vector<1024xf32> to vector<8xf32>
    %sub3A_107 = vector.broadcast %broadcast_in_dim3A : vector<1x1024xf32> to vector<8x1024xf32>
    %sub3A_108 = arith.subf %sub3A_107, %slice3A_105 : vector<8x1024xf32>
    %broadcast_in_dim3A_109 = vector.shape_cast %slice3A_106 : vector<8xf32> to vector<8x1xf32>
    %add3A_110 = vector.broadcast %broadcast_in_dim3A_109 : vector<8x1xf32> to vector<8x1024xf32>
    %add3A_111 = arith.addf %sub3A_108, %add3A_110 : vector<8x1024xf32>
    %lt3A_112 = arith.cmpf olt, %add3A_111, %select_n3A_100 : vector<8x1024xf32>
    %select_n3A_113 = arith.select %lt3A_112, %add3A_111, %select_n3A_100 : vector<8x1024xi1>, vector<8x1024xf32>
    %add3A_114 = arith.constant 56 : i32
    %add3A_115 = vector.broadcast %add3A_114 : i32 to vector<8x1024xi32>
    %add3A_116 = arith.addi %iota3A, %add3A_115 : vector<8x1024xi32>
    %select_n3A_117 = arith.select %lt3A_112, %add3A_116, %select_n3A_104 : vector<8x1024xi1>, vector<8x1024xi32>
    %slice3A_118 = vector.extract_strided_slice %dot_general3A_10 {offsets = [64, 0], sizes = [8, 1024], strides = [1, 1]} : vector<1024x1024xf32> to vector<8x1024xf32>
    %slice3A_119 = vector.extract_strided_slice %reduce_sum3A_14 {offsets = [64], sizes = [8], strides = [1]} : vector<1024xf32> to vector<8xf32>
    %sub3A_120 = vector.broadcast %broadcast_in_dim3A : vector<1x1024xf32> to vector<8x1024xf32>
    %sub3A_121 = arith.subf %sub3A_120, %slice3A_118 : vector<8x1024xf32>
    %broadcast_in_dim3A_122 = vector.shape_cast %slice3A_119 : vector<8xf32> to vector<8x1xf32>
    %add3A_123 = vector.broadcast %broadcast_in_dim3A_122 : vector<8x1xf32> to vector<8x1024xf32>
    %add3A_124 = arith.addf %sub3A_121, %add3A_123 : vector<8x1024xf32>
    %lt3A_125 = arith.cmpf olt, %add3A_124, %select_n3A_113 : vector<8x1024xf32>
    %select_n3A_126 = arith.select %lt3A_125, %add3A_124, %select_n3A_113 : vector<8x1024xi1>, vector<8x1024xf32>
    %add3A_127 = arith.constant 64 : i32
    %add3A_128 = vector.broadcast %add3A_127 : i32 to vector<8x1024xi32>
    %add3A_129 = arith.addi %iota3A, %add3A_128 : vector<8x1024xi32>
    %select_n3A_130 = arith.select %lt3A_125, %add3A_129, %select_n3A_117 : vector<8x1024xi1>, vector<8x1024xi32>
    %slice3A_131 = vector.extract_strided_slice %dot_general3A_10 {offsets = [72, 0], sizes = [8, 1024], strides = [1, 1]} : vector<1024x1024xf32> to vector<8x1024xf32>
    %slice3A_132 = vector.extract_strided_slice %reduce_sum3A_14 {offsets = [72], sizes = [8], strides = [1]} : vector<1024xf32> to vector<8xf32>
    %sub3A_133 = vector.broadcast %broadcast_in_dim3A : vector<1x1024xf32> to vector<8x1024xf32>
    %sub3A_134 = arith.subf %sub3A_133, %slice3A_131 : vector<8x1024xf32>
    %broadcast_in_dim3A_135 = vector.shape_cast %slice3A_132 : vector<8xf32> to vector<8x1xf32>
    %add3A_136 = vector.broadcast %broadcast_in_dim3A_135 : vector<8x1xf32> to vector<8x1024xf32>
    %add3A_137 = arith.addf %sub3A_134, %add3A_136 : vector<8x1024xf32>
    %lt3A_138 = arith.cmpf olt, %add3A_137, %select_n3A_126 : vector<8x1024xf32>
    %select_n3A_139 = arith.select %lt3A_138, %add3A_137, %select_n3A_126 : vector<8x1024xi1>, vector<8x1024xf32>
    %add3A_140 = arith.constant 72 : i32
    %add3A_141 = vector.broadcast %add3A_140 : i32 to vector<8x1024xi32>
    %add3A_142 = arith.addi %iota3A, %add3A_141 : vector<8x1024xi32>
    %select_n3A_143 = arith.select %lt3A_138, %add3A_142, %select_n3A_130 : vector<8x1024xi1>, vector<8x1024xi32>
    %slice3A_144 = vector.extract_strided_slice %dot_general3A_10 {offsets = [80, 0], sizes = [8, 1024], strides = [1, 1]} : vector<1024x1024xf32> to vector<8x1024xf32>
    %slice3A_145 = vector.extract_strided_slice %reduce_sum3A_14 {offsets = [80], sizes = [8], strides = [1]} : vector<1024xf32> to vector<8xf32>
    %sub3A_146 = vector.broadcast %broadcast_in_dim3A : vector<1x1024xf32> to vector<8x1024xf32>
    %sub3A_147 = arith.subf %sub3A_146, %slice3A_144 : vector<8x1024xf32>
    %broadcast_in_dim3A_148 = vector.shape_cast %slice3A_145 : vector<8xf32> to vector<8x1xf32>
    %add3A_149 = vector.broadcast %broadcast_in_dim3A_148 : vector<8x1xf32> to vector<8x1024xf32>
    %add3A_150 = arith.addf %sub3A_147, %add3A_149 : vector<8x1024xf32>
    %lt3A_151 = arith.cmpf olt, %add3A_150, %select_n3A_139 : vector<8x1024xf32>
    %select_n3A_152 = arith.select %lt3A_151, %add3A_150, %select_n3A_139 : vector<8x1024xi1>, vector<8x1024xf32>
    %add3A_153 = arith.constant 80 : i32
    %add3A_154 = vector.broadcast %add3A_153 : i32 to vector<8x1024xi32>
    %add3A_155 = arith.addi %iota3A, %add3A_154 : vector<8x1024xi32>
    %select_n3A_156 = arith.select %lt3A_151, %add3A_155, %select_n3A_143 : vector<8x1024xi1>, vector<8x1024xi32>
    %slice3A_157 = vector.extract_strided_slice %dot_general3A_10 {offsets = [88, 0], sizes = [8, 1024], strides = [1, 1]} : vector<1024x1024xf32> to vector<8x1024xf32>
    %slice3A_158 = vector.extract_strided_slice %reduce_sum3A_14 {offsets = [88], sizes = [8], strides = [1]} : vector<1024xf32> to vector<8xf32>
    %sub3A_159 = vector.broadcast %broadcast_in_dim3A : vector<1x1024xf32> to vector<8x1024xf32>
    %sub3A_160 = arith.subf %sub3A_159, %slice3A_157 : vector<8x1024xf32>
    %broadcast_in_dim3A_161 = vector.shape_cast %slice3A_158 : vector<8xf32> to vector<8x1xf32>
    %add3A_162 = vector.broadcast %broadcast_in_dim3A_161 : vector<8x1xf32> to vector<8x1024xf32>
    %add3A_163 = arith.addf %sub3A_160, %add3A_162 : vector<8x1024xf32>
    %lt3A_164 = arith.cmpf olt, %add3A_163, %select_n3A_152 : vector<8x1024xf32>
    %select_n3A_165 = arith.select %lt3A_164, %add3A_163, %select_n3A_152 : vector<8x1024xi1>, vector<8x1024xf32>
    %add3A_166 = arith.constant 88 : i32
    %add3A_167 = vector.broadcast %add3A_166 : i32 to vector<8x1024xi32>
    %add3A_168 = arith.addi %iota3A, %add3A_167 : vector<8x1024xi32>
    %select_n3A_169 = arith.select %lt3A_164, %add3A_168, %select_n3A_156 : vector<8x1024xi1>, vector<8x1024xi32>
    %slice3A_170 = vector.extract_strided_slice %dot_general3A_10 {offsets = [96, 0], sizes = [8, 1024], strides = [1, 1]} : vector<1024x1024xf32> to vector<8x1024xf32>
    %slice3A_171 = vector.extract_strided_slice %reduce_sum3A_14 {offsets = [96], sizes = [8], strides = [1]} : vector<1024xf32> to vector<8xf32>
    %sub3A_172 = vector.broadcast %broadcast_in_dim3A : vector<1x1024xf32> to vector<8x1024xf32>
    %sub3A_173 = arith.subf %sub3A_172, %slice3A_170 : vector<8x1024xf32>
    %broadcast_in_dim3A_174 = vector.shape_cast %slice3A_171 : vector<8xf32> to vector<8x1xf32>
    %add3A_175 = vector.broadcast %broadcast_in_dim3A_174 : vector<8x1xf32> to vector<8x1024xf32>
    %add3A_176 = arith.addf %sub3A_173, %add3A_175 : vector<8x1024xf32>
    %lt3A_177 = arith.cmpf olt, %add3A_176, %select_n3A_165 : vector<8x1024xf32>
    %select_n3A_178 = arith.select %lt3A_177, %add3A_176, %select_n3A_165 : vector<8x1024xi1>, vector<8x1024xf32>
    %add3A_179 = arith.constant 96 : i32
    %add3A_180 = vector.broadcast %add3A_179 : i32 to vector<8x1024xi32>
    %add3A_181 = arith.addi %iota3A, %add3A_180 : vector<8x1024xi32>
    %select_n3A_182 = arith.select %lt3A_177, %add3A_181, %select_n3A_169 : vector<8x1024xi1>, vector<8x1024xi32>
    %slice3A_183 = vector.extract_strided_slice %dot_general3A_10 {offsets = [104, 0], sizes = [8, 1024], strides = [1, 1]} : vector<1024x1024xf32> to vector<8x1024xf32>
    %slice3A_184 = vector.extract_strided_slice %reduce_sum3A_14 {offsets = [104], sizes = [8], strides = [1]} : vector<1024xf32> to vector<8xf32>
    %sub3A_185 = vector.broadcast %broadcast_in_dim3A : vector<1x1024xf32> to vector<8x1024xf32>
    %sub3A_186 = arith.subf %sub3A_185, %slice3A_183 : vector<8x1024xf32>
    %broadcast_in_dim3A_187 = vector.shape_cast %slice3A_184 : vector<8xf32> to vector<8x1xf32>
    %add3A_188 = vector.broadcast %broadcast_in_dim3A_187 : vector<8x1xf32> to vector<8x1024xf32>
    %add3A_189 = arith.addf %sub3A_186, %add3A_188 : vector<8x1024xf32>
    %lt3A_190 = arith.cmpf olt, %add3A_189, %select_n3A_178 : vector<8x1024xf32>
    %select_n3A_191 = arith.select %lt3A_190, %add3A_189, %select_n3A_178 : vector<8x1024xi1>, vector<8x1024xf32>
    %add3A_192 = arith.constant 104 : i32
    %add3A_193 = vector.broadcast %add3A_192 : i32 to vector<8x1024xi32>
    %add3A_194 = arith.addi %iota3A, %add3A_193 : vector<8x1024xi32>
    %select_n3A_195 = arith.select %lt3A_190, %add3A_194, %select_n3A_182 : vector<8x1024xi1>, vector<8x1024xi32>
    %slice3A_196 = vector.extract_strided_slice %dot_general3A_10 {offsets = [112, 0], sizes = [8, 1024], strides = [1, 1]} : vector<1024x1024xf32> to vector<8x1024xf32>
    %slice3A_197 = vector.extract_strided_slice %reduce_sum3A_14 {offsets = [112], sizes = [8], strides = [1]} : vector<1024xf32> to vector<8xf32>
    %sub3A_198 = vector.broadcast %broadcast_in_dim3A : vector<1x1024xf32> to vector<8x1024xf32>
    %sub3A_199 = arith.subf %sub3A_198, %slice3A_196 : vector<8x1024xf32>
    %broadcast_in_dim3A_200 = vector.shape_cast %slice3A_197 : vector<8xf32> to vector<8x1xf32>
    %add3A_201 = vector.broadcast %broadcast_in_dim3A_200 : vector<8x1xf32> to vector<8x1024xf32>
    %add3A_202 = arith.addf %sub3A_199, %add3A_201 : vector<8x1024xf32>
    %lt3A_203 = arith.cmpf olt, %add3A_202, %select_n3A_191 : vector<8x1024xf32>
    %select_n3A_204 = arith.select %lt3A_203, %add3A_202, %select_n3A_191 : vector<8x1024xi1>, vector<8x1024xf32>
    %add3A_205 = arith.constant 112 : i32
    %add3A_206 = vector.broadcast %add3A_205 : i32 to vector<8x1024xi32>
    %add3A_207 = arith.addi %iota3A, %add3A_206 : vector<8x1024xi32>
    %select_n3A_208 = arith.select %lt3A_203, %add3A_207, %select_n3A_195 : vector<8x1024xi1>, vector<8x1024xi32>
    %slice3A_209 = vector.extract_strided_slice %dot_general3A_10 {offsets = [120, 0], sizes = [8, 1024], strides = [1, 1]} : vector<1024x1024xf32> to vector<8x1024xf32>
    %slice3A_210 = vector.extract_strided_slice %reduce_sum3A_14 {offsets = [120], sizes = [8], strides = [1]} : vector<1024xf32> to vector<8xf32>
    %sub3A_211 = vector.broadcast %broadcast_in_dim3A : vector<1x1024xf32> to vector<8x1024xf32>
    %sub3A_212 = arith.subf %sub3A_211, %slice3A_209 : vector<8x1024xf32>
    %broadcast_in_dim3A_213 = vector.shape_cast %slice3A_210 : vector<8xf32> to vector<8x1xf32>
    %add3A_214 = vector.broadcast %broadcast_in_dim3A_213 : vector<8x1xf32> to vector<8x1024xf32>
    %add3A_215 = arith.addf %sub3A_212, %add3A_214 : vector<8x1024xf32>
    %lt3A_216 = arith.cmpf olt, %add3A_215, %select_n3A_204 : vector<8x1024xf32>
    %select_n3A_217 = arith.select %lt3A_216, %add3A_215, %select_n3A_204 : vector<8x1024xi1>, vector<8x1024xf32>
    %add3A_218 = arith.constant 120 : i32
    %add3A_219 = vector.broadcast %add3A_218 : i32 to vector<8x1024xi32>
    %add3A_220 = arith.addi %iota3A, %add3A_219 : vector<8x1024xi32>
    %select_n3A_221 = arith.select %lt3A_216, %add3A_220, %select_n3A_208 : vector<8x1024xi1>, vector<8x1024xi32>
    %slice3A_222 = vector.extract_strided_slice %dot_general3A_10 {offsets = [128, 0], sizes = [8, 1024], strides = [1, 1]} : vector<1024x1024xf32> to vector<8x1024xf32>
    %slice3A_223 = vector.extract_strided_slice %reduce_sum3A_14 {offsets = [128], sizes = [8], strides = [1]} : vector<1024xf32> to vector<8xf32>
    %sub3A_224 = vector.broadcast %broadcast_in_dim3A : vector<1x1024xf32> to vector<8x1024xf32>
    %sub3A_225 = arith.subf %sub3A_224, %slice3A_222 : vector<8x1024xf32>
    %broadcast_in_dim3A_226 = vector.shape_cast %slice3A_223 : vector<8xf32> to vector<8x1xf32>
    %add3A_227 = vector.broadcast %broadcast_in_dim3A_226 : vector<8x1xf32> to vector<8x1024xf32>
    %add3A_228 = arith.addf %sub3A_225, %add3A_227 : vector<8x1024xf32>
    %lt3A_229 = arith.cmpf olt, %add3A_228, %select_n3A_217 : vector<8x1024xf32>
    %select_n3A_230 = arith.select %lt3A_229, %add3A_228, %select_n3A_217 : vector<8x1024xi1>, vector<8x1024xf32>
    %add3A_231 = arith.constant 128 : i32
    %add3A_232 = vector.broadcast %add3A_231 : i32 to vector<8x1024xi32>
    %add3A_233 = arith.addi %iota3A, %add3A_232 : vector<8x1024xi32>
    %select_n3A_234 = arith.select %lt3A_229, %add3A_233, %select_n3A_221 : vector<8x1024xi1>, vector<8x1024xi32>
    %slice3A_235 = vector.extract_strided_slice %dot_general3A_10 {offsets = [136, 0], sizes = [8, 1024], strides = [1, 1]} : vector<1024x1024xf32> to vector<8x1024xf32>
    %slice3A_236 = vector.extract_strided_slice %reduce_sum3A_14 {offsets = [136], sizes = [8], strides = [1]} : vector<1024xf32> to vector<8xf32>
    %sub3A_237 = vector.broadcast %broadcast_in_dim3A : vector<1x1024xf32> to vector<8x1024xf32>
    %sub3A_238 = arith.subf %sub3A_237, %slice3A_235 : vector<8x1024xf32>
    %broadcast_in_dim3A_239 = vector.shape_cast %slice3A_236 : vector<8xf32> to vector<8x1xf32>
    %add3A_240 = vector.broadcast %broadcast_in_dim3A_239 : vector<8x1xf32> to vector<8x1024xf32>
    %add3A_241 = arith.addf %sub3A_238, %add3A_240 : vector<8x1024xf32>
    %lt3A_242 = arith.cmpf olt, %add3A_241, %select_n3A_230 : vector<8x1024xf32>
    %select_n3A_243 = arith.select %lt3A_242, %add3A_241, %select_n3A_230 : vector<8x1024xi1>, vector<8x1024xf32>
    %add3A_244 = arith.constant 136 : i32
    %add3A_245 = vector.broadcast %add3A_244 : i32 to vector<8x1024xi32>
    %add3A_246 = arith.addi %iota3A, %add3A_245 : vector<8x1024xi32>
    %select_n3A_247 = arith.select %lt3A_242, %add3A_246, %select_n3A_234 : vector<8x1024xi1>, vector<8x1024xi32>
    %slice3A_248 = vector.extract_strided_slice %dot_general3A_10 {offsets = [144, 0], sizes = [8, 1024], strides = [1, 1]} : vector<1024x1024xf32> to vector<8x1024xf32>
    %slice3A_249 = vector.extract_strided_slice %reduce_sum3A_14 {offsets = [144], sizes = [8], strides = [1]} : vector<1024xf32> to vector<8xf32>
    %sub3A_250 = vector.broadcast %broadcast_in_dim3A : vector<1x1024xf32> to vector<8x1024xf32>
    %sub3A_251 = arith.subf %sub3A_250, %slice3A_248 : vector<8x1024xf32>
    %broadcast_in_dim3A_252 = vector.shape_cast %slice3A_249 : vector<8xf32> to vector<8x1xf32>
    %add3A_253 = vector.broadcast %broadcast_in_dim3A_252 : vector<8x1xf32> to vector<8x1024xf32>
    %add3A_254 = arith.addf %sub3A_251, %add3A_253 : vector<8x1024xf32>
    %lt3A_255 = arith.cmpf olt, %add3A_254, %select_n3A_243 : vector<8x1024xf32>
    %select_n3A_256 = arith.select %lt3A_255, %add3A_254, %select_n3A_243 : vector<8x1024xi1>, vector<8x1024xf32>
    %add3A_257 = arith.constant 144 : i32
    %add3A_258 = vector.broadcast %add3A_257 : i32 to vector<8x1024xi32>
    %add3A_259 = arith.addi %iota3A, %add3A_258 : vector<8x1024xi32>
    %select_n3A_260 = arith.select %lt3A_255, %add3A_259, %select_n3A_247 : vector<8x1024xi1>, vector<8x1024xi32>
    %slice3A_261 = vector.extract_strided_slice %dot_general3A_10 {offsets = [152, 0], sizes = [8, 1024], strides = [1, 1]} : vector<1024x1024xf32> to vector<8x1024xf32>
    %slice3A_262 = vector.extract_strided_slice %reduce_sum3A_14 {offsets = [152], sizes = [8], strides = [1]} : vector<1024xf32> to vector<8xf32>
    %sub3A_263 = vector.broadcast %broadcast_in_dim3A : vector<1x1024xf32> to vector<8x1024xf32>
    %sub3A_264 = arith.subf %sub3A_263, %slice3A_261 : vector<8x1024xf32>
    %broadcast_in_dim3A_265 = vector.shape_cast %slice3A_262 : vector<8xf32> to vector<8x1xf32>
    %add3A_266 = vector.broadcast %broadcast_in_dim3A_265 : vector<8x1xf32> to vector<8x1024xf32>
    %add3A_267 = arith.addf %sub3A_264, %add3A_266 : vector<8x1024xf32>
    %lt3A_268 = arith.cmpf olt, %add3A_267, %select_n3A_256 : vector<8x1024xf32>
    %select_n3A_269 = arith.select %lt3A_268, %add3A_267, %select_n3A_256 : vector<8x1024xi1>, vector<8x1024xf32>
    %add3A_270 = arith.constant 152 : i32
    %add3A_271 = vector.broadcast %add3A_270 : i32 to vector<8x1024xi32>
    %add3A_272 = arith.addi %iota3A, %add3A_271 : vector<8x1024xi32>
    %select_n3A_273 = arith.select %lt3A_268, %add3A_272, %select_n3A_260 : vector<8x1024xi1>, vector<8x1024xi32>
    %slice3A_274 = vector.extract_strided_slice %dot_general3A_10 {offsets = [160, 0], sizes = [8, 1024], strides = [1, 1]} : vector<1024x1024xf32> to vector<8x1024xf32>
    %slice3A_275 = vector.extract_strided_slice %reduce_sum3A_14 {offsets = [160], sizes = [8], strides = [1]} : vector<1024xf32> to vector<8xf32>
    %sub3A_276 = vector.broadcast %broadcast_in_dim3A : vector<1x1024xf32> to vector<8x1024xf32>
    %sub3A_277 = arith.subf %sub3A_276, %slice3A_274 : vector<8x1024xf32>
    %broadcast_in_dim3A_278 = vector.shape_cast %slice3A_275 : vector<8xf32> to vector<8x1xf32>
    %add3A_279 = vector.broadcast %broadcast_in_dim3A_278 : vector<8x1xf32> to vector<8x1024xf32>
    %add3A_280 = arith.addf %sub3A_277, %add3A_279 : vector<8x1024xf32>
    %lt3A_281 = arith.cmpf olt, %add3A_280, %select_n3A_269 : vector<8x1024xf32>
    %select_n3A_282 = arith.select %lt3A_281, %add3A_280, %select_n3A_269 : vector<8x1024xi1>, vector<8x1024xf32>
    %add3A_283 = arith.constant 160 : i32
    %add3A_284 = vector.broadcast %add3A_283 : i32 to vector<8x1024xi32>
    %add3A_285 = arith.addi %iota3A, %add3A_284 : vector<8x1024xi32>
    %select_n3A_286 = arith.select %lt3A_281, %add3A_285, %select_n3A_273 : vector<8x1024xi1>, vector<8x1024xi32>
    %slice3A_287 = vector.extract_strided_slice %dot_general3A_10 {offsets = [168, 0], sizes = [8, 1024], strides = [1, 1]} : vector<1024x1024xf32> to vector<8x1024xf32>
    %slice3A_288 = vector.extract_strided_slice %reduce_sum3A_14 {offsets = [168], sizes = [8], strides = [1]} : vector<1024xf32> to vector<8xf32>
    %sub3A_289 = vector.broadcast %broadcast_in_dim3A : vector<1x1024xf32> to vector<8x1024xf32>
    %sub3A_290 = arith.subf %sub3A_289, %slice3A_287 : vector<8x1024xf32>
    %broadcast_in_dim3A_291 = vector.shape_cast %slice3A_288 : vector<8xf32> to vector<8x1xf32>
    %add3A_292 = vector.broadcast %broadcast_in_dim3A_291 : vector<8x1xf32> to vector<8x1024xf32>
    %add3A_293 = arith.addf %sub3A_290, %add3A_292 : vector<8x1024xf32>
    %lt3A_294 = arith.cmpf olt, %add3A_293, %select_n3A_282 : vector<8x1024xf32>
    %select_n3A_295 = arith.select %lt3A_294, %add3A_293, %select_n3A_282 : vector<8x1024xi1>, vector<8x1024xf32>
    %add3A_296 = arith.constant 168 : i32
    %add3A_297 = vector.broadcast %add3A_296 : i32 to vector<8x1024xi32>
    %add3A_298 = arith.addi %iota3A, %add3A_297 : vector<8x1024xi32>
    %select_n3A_299 = arith.select %lt3A_294, %add3A_298, %select_n3A_286 : vector<8x1024xi1>, vector<8x1024xi32>
    %slice3A_300 = vector.extract_strided_slice %dot_general3A_10 {offsets = [176, 0], sizes = [8, 1024], strides = [1, 1]} : vector<1024x1024xf32> to vector<8x1024xf32>
    %slice3A_301 = vector.extract_strided_slice %reduce_sum3A_14 {offsets = [176], sizes = [8], strides = [1]} : vector<1024xf32> to vector<8xf32>
    %sub3A_302 = vector.broadcast %broadcast_in_dim3A : vector<1x1024xf32> to vector<8x1024xf32>
    %sub3A_303 = arith.subf %sub3A_302, %slice3A_300 : vector<8x1024xf32>
    %broadcast_in_dim3A_304 = vector.shape_cast %slice3A_301 : vector<8xf32> to vector<8x1xf32>
    %add3A_305 = vector.broadcast %broadcast_in_dim3A_304 : vector<8x1xf32> to vector<8x1024xf32>
    %add3A_306 = arith.addf %sub3A_303, %add3A_305 : vector<8x1024xf32>
    %lt3A_307 = arith.cmpf olt, %add3A_306, %select_n3A_295 : vector<8x1024xf32>
    %select_n3A_308 = arith.select %lt3A_307, %add3A_306, %select_n3A_295 : vector<8x1024xi1>, vector<8x1024xf32>
    %add3A_309 = arith.constant 176 : i32
    %add3A_310 = vector.broadcast %add3A_309 : i32 to vector<8x1024xi32>
    %add3A_311 = arith.addi %iota3A, %add3A_310 : vector<8x1024xi32>
    %select_n3A_312 = arith.select %lt3A_307, %add3A_311, %select_n3A_299 : vector<8x1024xi1>, vector<8x1024xi32>
    %slice3A_313 = vector.extract_strided_slice %dot_general3A_10 {offsets = [184, 0], sizes = [8, 1024], strides = [1, 1]} : vector<1024x1024xf32> to vector<8x1024xf32>
    %slice3A_314 = vector.extract_strided_slice %reduce_sum3A_14 {offsets = [184], sizes = [8], strides = [1]} : vector<1024xf32> to vector<8xf32>
    %sub3A_315 = vector.broadcast %broadcast_in_dim3A : vector<1x1024xf32> to vector<8x1024xf32>
    %sub3A_316 = arith.subf %sub3A_315, %slice3A_313 : vector<8x1024xf32>
    %broadcast_in_dim3A_317 = vector.shape_cast %slice3A_314 : vector<8xf32> to vector<8x1xf32>
    %add3A_318 = vector.broadcast %broadcast_in_dim3A_317 : vector<8x1xf32> to vector<8x1024xf32>
    %add3A_319 = arith.addf %sub3A_316, %add3A_318 : vector<8x1024xf32>
    %lt3A_320 = arith.cmpf olt, %add3A_319, %select_n3A_308 : vector<8x1024xf32>
    %select_n3A_321 = arith.select %lt3A_320, %add3A_319, %select_n3A_308 : vector<8x1024xi1>, vector<8x1024xf32>
    %add3A_322 = arith.constant 184 : i32
    %add3A_323 = vector.broadcast %add3A_322 : i32 to vector<8x1024xi32>
    %add3A_324 = arith.addi %iota3A, %add3A_323 : vector<8x1024xi32>
    %select_n3A_325 = arith.select %lt3A_320, %add3A_324, %select_n3A_312 : vector<8x1024xi1>, vector<8x1024xi32>
    %slice3A_326 = vector.extract_strided_slice %dot_general3A_10 {offsets = [192, 0], sizes = [8, 1024], strides = [1, 1]} : vector<1024x1024xf32> to vector<8x1024xf32>
    %slice3A_327 = vector.extract_strided_slice %reduce_sum3A_14 {offsets = [192], sizes = [8], strides = [1]} : vector<1024xf32> to vector<8xf32>
    %sub3A_328 = vector.broadcast %broadcast_in_dim3A : vector<1x1024xf32> to vector<8x1024xf32>
    %sub3A_329 = arith.subf %sub3A_328, %slice3A_326 : vector<8x1024xf32>
    %broadcast_in_dim3A_330 = vector.shape_cast %slice3A_327 : vector<8xf32> to vector<8x1xf32>
    %add3A_331 = vector.broadcast %broadcast_in_dim3A_330 : vector<8x1xf32> to vector<8x1024xf32>
    %add3A_332 = arith.addf %sub3A_329, %add3A_331 : vector<8x1024xf32>
    %lt3A_333 = arith.cmpf olt, %add3A_332, %select_n3A_321 : vector<8x1024xf32>
    %select_n3A_334 = arith.select %lt3A_333, %add3A_332, %select_n3A_321 : vector<8x1024xi1>, vector<8x1024xf32>
    %add3A_335 = arith.constant 192 : i32
    %add3A_336 = vector.broadcast %add3A_335 : i32 to vector<8x1024xi32>
    %add3A_337 = arith.addi %iota3A, %add3A_336 : vector<8x1024xi32>
    %select_n3A_338 = arith.select %lt3A_333, %add3A_337, %select_n3A_325 : vector<8x1024xi1>, vector<8x1024xi32>
    %slice3A_339 = vector.extract_strided_slice %dot_general3A_10 {offsets = [200, 0], sizes = [8, 1024], strides = [1, 1]} : vector<1024x1024xf32> to vector<8x1024xf32>
    %slice3A_340 = vector.extract_strided_slice %reduce_sum3A_14 {offsets = [200], sizes = [8], strides = [1]} : vector<1024xf32> to vector<8xf32>
    %sub3A_341 = vector.broadcast %broadcast_in_dim3A : vector<1x1024xf32> to vector<8x1024xf32>
    %sub3A_342 = arith.subf %sub3A_341, %slice3A_339 : vector<8x1024xf32>
    %broadcast_in_dim3A_343 = vector.shape_cast %slice3A_340 : vector<8xf32> to vector<8x1xf32>
    %add3A_344 = vector.broadcast %broadcast_in_dim3A_343 : vector<8x1xf32> to vector<8x1024xf32>
    %add3A_345 = arith.addf %sub3A_342, %add3A_344 : vector<8x1024xf32>
    %lt3A_346 = arith.cmpf olt, %add3A_345, %select_n3A_334 : vector<8x1024xf32>
    %select_n3A_347 = arith.select %lt3A_346, %add3A_345, %select_n3A_334 : vector<8x1024xi1>, vector<8x1024xf32>
    %add3A_348 = arith.constant 200 : i32
    %add3A_349 = vector.broadcast %add3A_348 : i32 to vector<8x1024xi32>
    %add3A_350 = arith.addi %iota3A, %add3A_349 : vector<8x1024xi32>
    %select_n3A_351 = arith.select %lt3A_346, %add3A_350, %select_n3A_338 : vector<8x1024xi1>, vector<8x1024xi32>
    %slice3A_352 = vector.extract_strided_slice %dot_general3A_10 {offsets = [208, 0], sizes = [8, 1024], strides = [1, 1]} : vector<1024x1024xf32> to vector<8x1024xf32>
    %slice3A_353 = vector.extract_strided_slice %reduce_sum3A_14 {offsets = [208], sizes = [8], strides = [1]} : vector<1024xf32> to vector<8xf32>
    %sub3A_354 = vector.broadcast %broadcast_in_dim3A : vector<1x1024xf32> to vector<8x1024xf32>
    %sub3A_355 = arith.subf %sub3A_354, %slice3A_352 : vector<8x1024xf32>
    %broadcast_in_dim3A_356 = vector.shape_cast %slice3A_353 : vector<8xf32> to vector<8x1xf32>
    %add3A_357 = vector.broadcast %broadcast_in_dim3A_356 : vector<8x1xf32> to vector<8x1024xf32>
    %add3A_358 = arith.addf %sub3A_355, %add3A_357 : vector<8x1024xf32>
    %lt3A_359 = arith.cmpf olt, %add3A_358, %select_n3A_347 : vector<8x1024xf32>
    %select_n3A_360 = arith.select %lt3A_359, %add3A_358, %select_n3A_347 : vector<8x1024xi1>, vector<8x1024xf32>
    %add3A_361 = arith.constant 208 : i32
    %add3A_362 = vector.broadcast %add3A_361 : i32 to vector<8x1024xi32>
    %add3A_363 = arith.addi %iota3A, %add3A_362 : vector<8x1024xi32>
    %select_n3A_364 = arith.select %lt3A_359, %add3A_363, %select_n3A_351 : vector<8x1024xi1>, vector<8x1024xi32>
    %slice3A_365 = vector.extract_strided_slice %dot_general3A_10 {offsets = [216, 0], sizes = [8, 1024], strides = [1, 1]} : vector<1024x1024xf32> to vector<8x1024xf32>
    %slice3A_366 = vector.extract_strided_slice %reduce_sum3A_14 {offsets = [216], sizes = [8], strides = [1]} : vector<1024xf32> to vector<8xf32>
    %sub3A_367 = vector.broadcast %broadcast_in_dim3A : vector<1x1024xf32> to vector<8x1024xf32>
    %sub3A_368 = arith.subf %sub3A_367, %slice3A_365 : vector<8x1024xf32>
    %broadcast_in_dim3A_369 = vector.shape_cast %slice3A_366 : vector<8xf32> to vector<8x1xf32>
    %add3A_370 = vector.broadcast %broadcast_in_dim3A_369 : vector<8x1xf32> to vector<8x1024xf32>
    %add3A_371 = arith.addf %sub3A_368, %add3A_370 : vector<8x1024xf32>
    %lt3A_372 = arith.cmpf olt, %add3A_371, %select_n3A_360 : vector<8x1024xf32>
    %select_n3A_373 = arith.select %lt3A_372, %add3A_371, %select_n3A_360 : vector<8x1024xi1>, vector<8x1024xf32>
    %add3A_374 = arith.constant 216 : i32
    %add3A_375 = vector.broadcast %add3A_374 : i32 to vector<8x1024xi32>
    %add3A_376 = arith.addi %iota3A, %add3A_375 : vector<8x1024xi32>
    %select_n3A_377 = arith.select %lt3A_372, %add3A_376, %select_n3A_364 : vector<8x1024xi1>, vector<8x1024xi32>
    %slice3A_378 = vector.extract_strided_slice %dot_general3A_10 {offsets = [224, 0], sizes = [8, 1024], strides = [1, 1]} : vector<1024x1024xf32> to vector<8x1024xf32>
    %slice3A_379 = vector.extract_strided_slice %reduce_sum3A_14 {offsets = [224], sizes = [8], strides = [1]} : vector<1024xf32> to vector<8xf32>
    %sub3A_380 = vector.broadcast %broadcast_in_dim3A : vector<1x1024xf32> to vector<8x1024xf32>
    %sub3A_381 = arith.subf %sub3A_380, %slice3A_378 : vector<8x1024xf32>
    %broadcast_in_dim3A_382 = vector.shape_cast %slice3A_379 : vector<8xf32> to vector<8x1xf32>
    %add3A_383 = vector.broadcast %broadcast_in_dim3A_382 : vector<8x1xf32> to vector<8x1024xf32>
    %add3A_384 = arith.addf %sub3A_381, %add3A_383 : vector<8x1024xf32>
    %lt3A_385 = arith.cmpf olt, %add3A_384, %select_n3A_373 : vector<8x1024xf32>
    %select_n3A_386 = arith.select %lt3A_385, %add3A_384, %select_n3A_373 : vector<8x1024xi1>, vector<8x1024xf32>
    %add3A_387 = arith.constant 224 : i32
    %add3A_388 = vector.broadcast %add3A_387 : i32 to vector<8x1024xi32>
    %add3A_389 = arith.addi %iota3A, %add3A_388 : vector<8x1024xi32>
    %select_n3A_390 = arith.select %lt3A_385, %add3A_389, %select_n3A_377 : vector<8x1024xi1>, vector<8x1024xi32>
    %slice3A_391 = vector.extract_strided_slice %dot_general3A_10 {offsets = [232, 0], sizes = [8, 1024], strides = [1, 1]} : vector<1024x1024xf32> to vector<8x1024xf32>
    %slice3A_392 = vector.extract_strided_slice %reduce_sum3A_14 {offsets = [232], sizes = [8], strides = [1]} : vector<1024xf32> to vector<8xf32>
    %sub3A_393 = vector.broadcast %broadcast_in_dim3A : vector<1x1024xf32> to vector<8x1024xf32>
    %sub3A_394 = arith.subf %sub3A_393, %slice3A_391 : vector<8x1024xf32>
    %broadcast_in_dim3A_395 = vector.shape_cast %slice3A_392 : vector<8xf32> to vector<8x1xf32>
    %add3A_396 = vector.broadcast %broadcast_in_dim3A_395 : vector<8x1xf32> to vector<8x1024xf32>
    %add3A_397 = arith.addf %sub3A_394, %add3A_396 : vector<8x1024xf32>
    %lt3A_398 = arith.cmpf olt, %add3A_397, %select_n3A_386 : vector<8x1024xf32>
    %select_n3A_399 = arith.select %lt3A_398, %add3A_397, %select_n3A_386 : vector<8x1024xi1>, vector<8x1024xf32>
    %add3A_400 = arith.constant 232 : i32
    %add3A_401 = vector.broadcast %add3A_400 : i32 to vector<8x1024xi32>
    %add3A_402 = arith.addi %iota3A, %add3A_401 : vector<8x1024xi32>
    %select_n3A_403 = arith.select %lt3A_398, %add3A_402, %select_n3A_390 : vector<8x1024xi1>, vector<8x1024xi32>
    %slice3A_404 = vector.extract_strided_slice %dot_general3A_10 {offsets = [240, 0], sizes = [8, 1024], strides = [1, 1]} : vector<1024x1024xf32> to vector<8x1024xf32>
    %slice3A_405 = vector.extract_strided_slice %reduce_sum3A_14 {offsets = [240], sizes = [8], strides = [1]} : vector<1024xf32> to vector<8xf32>
    %sub3A_406 = vector.broadcast %broadcast_in_dim3A : vector<1x1024xf32> to vector<8x1024xf32>
    %sub3A_407 = arith.subf %sub3A_406, %slice3A_404 : vector<8x1024xf32>
    %broadcast_in_dim3A_408 = vector.shape_cast %slice3A_405 : vector<8xf32> to vector<8x1xf32>
    %add3A_409 = vector.broadcast %broadcast_in_dim3A_408 : vector<8x1xf32> to vector<8x1024xf32>
    %add3A_410 = arith.addf %sub3A_407, %add3A_409 : vector<8x1024xf32>
    %lt3A_411 = arith.cmpf olt, %add3A_410, %select_n3A_399 : vector<8x1024xf32>
    %select_n3A_412 = arith.select %lt3A_411, %add3A_410, %select_n3A_399 : vector<8x1024xi1>, vector<8x1024xf32>
    %add3A_413 = arith.constant 240 : i32
    %add3A_414 = vector.broadcast %add3A_413 : i32 to vector<8x1024xi32>
    %add3A_415 = arith.addi %iota3A, %add3A_414 : vector<8x1024xi32>
    %select_n3A_416 = arith.select %lt3A_411, %add3A_415, %select_n3A_403 : vector<8x1024xi1>, vector<8x1024xi32>
    %slice3A_417 = vector.extract_strided_slice %dot_general3A_10 {offsets = [248, 0], sizes = [8, 1024], strides = [1, 1]} : vector<1024x1024xf32> to vector<8x1024xf32>
    %slice3A_418 = vector.extract_strided_slice %reduce_sum3A_14 {offsets = [248], sizes = [8], strides = [1]} : vector<1024xf32> to vector<8xf32>
    %sub3A_419 = vector.broadcast %broadcast_in_dim3A : vector<1x1024xf32> to vector<8x1024xf32>
    %sub3A_420 = arith.subf %sub3A_419, %slice3A_417 : vector<8x1024xf32>
    %broadcast_in_dim3A_421 = vector.shape_cast %slice3A_418 : vector<8xf32> to vector<8x1xf32>
    %add3A_422 = vector.broadcast %broadcast_in_dim3A_421 : vector<8x1xf32> to vector<8x1024xf32>
    %add3A_423 = arith.addf %sub3A_420, %add3A_422 : vector<8x1024xf32>
    %lt3A_424 = arith.cmpf olt, %add3A_423, %select_n3A_412 : vector<8x1024xf32>
    %select_n3A_425 = arith.select %lt3A_424, %add3A_423, %select_n3A_412 : vector<8x1024xi1>, vector<8x1024xf32>
    %add3A_426 = arith.constant 248 : i32
    %add3A_427 = vector.broadcast %add3A_426 : i32 to vector<8x1024xi32>
    %add3A_428 = arith.addi %iota3A, %add3A_427 : vector<8x1024xi32>
    %select_n3A_429 = arith.select %lt3A_424, %add3A_428, %select_n3A_416 : vector<8x1024xi1>, vector<8x1024xi32>
    %slice3A_430 = vector.extract_strided_slice %dot_general3A_10 {offsets = [256, 0], sizes = [8, 1024], strides = [1, 1]} : vector<1024x1024xf32> to vector<8x1024xf32>
    %slice3A_431 = vector.extract_strided_slice %reduce_sum3A_14 {offsets = [256], sizes = [8], strides = [1]} : vector<1024xf32> to vector<8xf32>
    %sub3A_432 = vector.broadcast %broadcast_in_dim3A : vector<1x1024xf32> to vector<8x1024xf32>
    %sub3A_433 = arith.subf %sub3A_432, %slice3A_430 : vector<8x1024xf32>
    %broadcast_in_dim3A_434 = vector.shape_cast %slice3A_431 : vector<8xf32> to vector<8x1xf32>
    %add3A_435 = vector.broadcast %broadcast_in_dim3A_434 : vector<8x1xf32> to vector<8x1024xf32>
    %add3A_436 = arith.addf %sub3A_433, %add3A_435 : vector<8x1024xf32>
    %lt3A_437 = arith.cmpf olt, %add3A_436, %select_n3A_425 : vector<8x1024xf32>
    %select_n3A_438 = arith.select %lt3A_437, %add3A_436, %select_n3A_425 : vector<8x1024xi1>, vector<8x1024xf32>
    %add3A_439 = arith.constant 256 : i32
    %add3A_440 = vector.broadcast %add3A_439 : i32 to vector<8x1024xi32>
    %add3A_441 = arith.addi %iota3A, %add3A_440 : vector<8x1024xi32>
    %select_n3A_442 = arith.select %lt3A_437, %add3A_441, %select_n3A_429 : vector<8x1024xi1>, vector<8x1024xi32>
    %slice3A_443 = vector.extract_strided_slice %dot_general3A_10 {offsets = [264, 0], sizes = [8, 1024], strides = [1, 1]} : vector<1024x1024xf32> to vector<8x1024xf32>
    %slice3A_444 = vector.extract_strided_slice %reduce_sum3A_14 {offsets = [264], sizes = [8], strides = [1]} : vector<1024xf32> to vector<8xf32>
    %sub3A_445 = vector.broadcast %broadcast_in_dim3A : vector<1x1024xf32> to vector<8x1024xf32>
    %sub3A_446 = arith.subf %sub3A_445, %slice3A_443 : vector<8x1024xf32>
    %broadcast_in_dim3A_447 = vector.shape_cast %slice3A_444 : vector<8xf32> to vector<8x1xf32>
    %add3A_448 = vector.broadcast %broadcast_in_dim3A_447 : vector<8x1xf32> to vector<8x1024xf32>
    %add3A_449 = arith.addf %sub3A_446, %add3A_448 : vector<8x1024xf32>
    %lt3A_450 = arith.cmpf olt, %add3A_449, %select_n3A_438 : vector<8x1024xf32>
    %select_n3A_451 = arith.select %lt3A_450, %add3A_449, %select_n3A_438 : vector<8x1024xi1>, vector<8x1024xf32>
    %add3A_452 = arith.constant 264 : i32
    %add3A_453 = vector.broadcast %add3A_452 : i32 to vector<8x1024xi32>
    %add3A_454 = arith.addi %iota3A, %add3A_453 : vector<8x1024xi32>
    %select_n3A_455 = arith.select %lt3A_450, %add3A_454, %select_n3A_442 : vector<8x1024xi1>, vector<8x1024xi32>
    %slice3A_456 = vector.extract_strided_slice %dot_general3A_10 {offsets = [272, 0], sizes = [8, 1024], strides = [1, 1]} : vector<1024x1024xf32> to vector<8x1024xf32>
    %slice3A_457 = vector.extract_strided_slice %reduce_sum3A_14 {offsets = [272], sizes = [8], strides = [1]} : vector<1024xf32> to vector<8xf32>
    %sub3A_458 = vector.broadcast %broadcast_in_dim3A : vector<1x1024xf32> to vector<8x1024xf32>
    %sub3A_459 = arith.subf %sub3A_458, %slice3A_456 : vector<8x1024xf32>
    %broadcast_in_dim3A_460 = vector.shape_cast %slice3A_457 : vector<8xf32> to vector<8x1xf32>
    %add3A_461 = vector.broadcast %broadcast_in_dim3A_460 : vector<8x1xf32> to vector<8x1024xf32>
    %add3A_462 = arith.addf %sub3A_459, %add3A_461 : vector<8x1024xf32>
    %lt3A_463 = arith.cmpf olt, %add3A_462, %select_n3A_451 : vector<8x1024xf32>
    %select_n3A_464 = arith.select %lt3A_463, %add3A_462, %select_n3A_451 : vector<8x1024xi1>, vector<8x1024xf32>
    %add3A_465 = arith.constant 272 : i32
    %add3A_466 = vector.broadcast %add3A_465 : i32 to vector<8x1024xi32>
    %add3A_467 = arith.addi %iota3A, %add3A_466 : vector<8x1024xi32>
    %select_n3A_468 = arith.select %lt3A_463, %add3A_467, %select_n3A_455 : vector<8x1024xi1>, vector<8x1024xi32>
    %slice3A_469 = vector.extract_strided_slice %dot_general3A_10 {offsets = [280, 0], sizes = [8, 1024], strides = [1, 1]} : vector<1024x1024xf32> to vector<8x1024xf32>
    %slice3A_470 = vector.extract_strided_slice %reduce_sum3A_14 {offsets = [280], sizes = [8], strides = [1]} : vector<1024xf32> to vector<8xf32>
    %sub3A_471 = vector.broadcast %broadcast_in_dim3A : vector<1x1024xf32> to vector<8x1024xf32>
    %sub3A_472 = arith.subf %sub3A_471, %slice3A_469 : vector<8x1024xf32>
    %broadcast_in_dim3A_473 = vector.shape_cast %slice3A_470 : vector<8xf32> to vector<8x1xf32>
    %add3A_474 = vector.broadcast %broadcast_in_dim3A_473 : vector<8x1xf32> to vector<8x1024xf32>
    %add3A_475 = arith.addf %sub3A_472, %add3A_474 : vector<8x1024xf32>
    %lt3A_476 = arith.cmpf olt, %add3A_475, %select_n3A_464 : vector<8x1024xf32>
    %select_n3A_477 = arith.select %lt3A_476, %add3A_475, %select_n3A_464 : vector<8x1024xi1>, vector<8x1024xf32>
    %add3A_478 = arith.constant 280 : i32
    %add3A_479 = vector.broadcast %add3A_478 : i32 to vector<8x1024xi32>
    %add3A_480 = arith.addi %iota3A, %add3A_479 : vector<8x1024xi32>
    %select_n3A_481 = arith.select %lt3A_476, %add3A_480, %select_n3A_468 : vector<8x1024xi1>, vector<8x1024xi32>
    %slice3A_482 = vector.extract_strided_slice %dot_general3A_10 {offsets = [288, 0], sizes = [8, 1024], strides = [1, 1]} : vector<1024x1024xf32> to vector<8x1024xf32>
    %slice3A_483 = vector.extract_strided_slice %reduce_sum3A_14 {offsets = [288], sizes = [8], strides = [1]} : vector<1024xf32> to vector<8xf32>
    %sub3A_484 = vector.broadcast %broadcast_in_dim3A : vector<1x1024xf32> to vector<8x1024xf32>
    %sub3A_485 = arith.subf %sub3A_484, %slice3A_482 : vector<8x1024xf32>
    %broadcast_in_dim3A_486 = vector.shape_cast %slice3A_483 : vector<8xf32> to vector<8x1xf32>
    %add3A_487 = vector.broadcast %broadcast_in_dim3A_486 : vector<8x1xf32> to vector<8x1024xf32>
    %add3A_488 = arith.addf %sub3A_485, %add3A_487 : vector<8x1024xf32>
    %lt3A_489 = arith.cmpf olt, %add3A_488, %select_n3A_477 : vector<8x1024xf32>
    %select_n3A_490 = arith.select %lt3A_489, %add3A_488, %select_n3A_477 : vector<8x1024xi1>, vector<8x1024xf32>
    %add3A_491 = arith.constant 288 : i32
    %add3A_492 = vector.broadcast %add3A_491 : i32 to vector<8x1024xi32>
    %add3A_493 = arith.addi %iota3A, %add3A_492 : vector<8x1024xi32>
    %select_n3A_494 = arith.select %lt3A_489, %add3A_493, %select_n3A_481 : vector<8x1024xi1>, vector<8x1024xi32>
    %slice3A_495 = vector.extract_strided_slice %dot_general3A_10 {offsets = [296, 0], sizes = [8, 1024], strides = [1, 1]} : vector<1024x1024xf32> to vector<8x1024xf32>
    %slice3A_496 = vector.extract_strided_slice %reduce_sum3A_14 {offsets = [296], sizes = [8], strides = [1]} : vector<1024xf32> to vector<8xf32>
    %sub3A_497 = vector.broadcast %broadcast_in_dim3A : vector<1x1024xf32> to vector<8x1024xf32>
    %sub3A_498 = arith.subf %sub3A_497, %slice3A_495 : vector<8x1024xf32>
    %broadcast_in_dim3A_499 = vector.shape_cast %slice3A_496 : vector<8xf32> to vector<8x1xf32>
    %add3A_500 = vector.broadcast %broadcast_in_dim3A_499 : vector<8x1xf32> to vector<8x1024xf32>
    %add3A_501 = arith.addf %sub3A_498, %add3A_500 : vector<8x1024xf32>
    %lt3A_502 = arith.cmpf olt, %add3A_501, %select_n3A_490 : vector<8x1024xf32>
    %select_n3A_503 = arith.select %lt3A_502, %add3A_501, %select_n3A_490 : vector<8x1024xi1>, vector<8x1024xf32>
    %add3A_504 = arith.constant 296 : i32
    %add3A_505 = vector.broadcast %add3A_504 : i32 to vector<8x1024xi32>
    %add3A_506 = arith.addi %iota3A, %add3A_505 : vector<8x1024xi32>
    %select_n3A_507 = arith.select %lt3A_502, %add3A_506, %select_n3A_494 : vector<8x1024xi1>, vector<8x1024xi32>
    %slice3A_508 = vector.extract_strided_slice %dot_general3A_10 {offsets = [304, 0], sizes = [8, 1024], strides = [1, 1]} : vector<1024x1024xf32> to vector<8x1024xf32>
    %slice3A_509 = vector.extract_strided_slice %reduce_sum3A_14 {offsets = [304], sizes = [8], strides = [1]} : vector<1024xf32> to vector<8xf32>
    %sub3A_510 = vector.broadcast %broadcast_in_dim3A : vector<1x1024xf32> to vector<8x1024xf32>
    %sub3A_511 = arith.subf %sub3A_510, %slice3A_508 : vector<8x1024xf32>
    %broadcast_in_dim3A_512 = vector.shape_cast %slice3A_509 : vector<8xf32> to vector<8x1xf32>
    %add3A_513 = vector.broadcast %broadcast_in_dim3A_512 : vector<8x1xf32> to vector<8x1024xf32>
    %add3A_514 = arith.addf %sub3A_511, %add3A_513 : vector<8x1024xf32>
    %lt3A_515 = arith.cmpf olt, %add3A_514, %select_n3A_503 : vector<8x1024xf32>
    %select_n3A_516 = arith.select %lt3A_515, %add3A_514, %select_n3A_503 : vector<8x1024xi1>, vector<8x1024xf32>
    %add3A_517 = arith.constant 304 : i32
    %add3A_518 = vector.broadcast %add3A_517 : i32 to vector<8x1024xi32>
    %add3A_519 = arith.addi %iota3A, %add3A_518 : vector<8x1024xi32>
    %select_n3A_520 = arith.select %lt3A_515, %add3A_519, %select_n3A_507 : vector<8x1024xi1>, vector<8x1024xi32>
    %slice3A_521 = vector.extract_strided_slice %dot_general3A_10 {offsets = [312, 0], sizes = [8, 1024], strides = [1, 1]} : vector<1024x1024xf32> to vector<8x1024xf32>
    %slice3A_522 = vector.extract_strided_slice %reduce_sum3A_14 {offsets = [312], sizes = [8], strides = [1]} : vector<1024xf32> to vector<8xf32>
    %sub3A_523 = vector.broadcast %broadcast_in_dim3A : vector<1x1024xf32> to vector<8x1024xf32>
    %sub3A_524 = arith.subf %sub3A_523, %slice3A_521 : vector<8x1024xf32>
    %broadcast_in_dim3A_525 = vector.shape_cast %slice3A_522 : vector<8xf32> to vector<8x1xf32>
    %add3A_526 = vector.broadcast %broadcast_in_dim3A_525 : vector<8x1xf32> to vector<8x1024xf32>
    %add3A_527 = arith.addf %sub3A_524, %add3A_526 : vector<8x1024xf32>
    %lt3A_528 = arith.cmpf olt, %add3A_527, %select_n3A_516 : vector<8x1024xf32>
    %select_n3A_529 = arith.select %lt3A_528, %add3A_527, %select_n3A_516 : vector<8x1024xi1>, vector<8x1024xf32>
    %add3A_530 = arith.constant 312 : i32
    %add3A_531 = vector.broadcast %add3A_530 : i32 to vector<8x1024xi32>
    %add3A_532 = arith.addi %iota3A, %add3A_531 : vector<8x1024xi32>
    %select_n3A_533 = arith.select %lt3A_528, %add3A_532, %select_n3A_520 : vector<8x1024xi1>, vector<8x1024xi32>
    %slice3A_534 = vector.extract_strided_slice %dot_general3A_10 {offsets = [320, 0], sizes = [8, 1024], strides = [1, 1]} : vector<1024x1024xf32> to vector<8x1024xf32>
    %slice3A_535 = vector.extract_strided_slice %reduce_sum3A_14 {offsets = [320], sizes = [8], strides = [1]} : vector<1024xf32> to vector<8xf32>
    %sub3A_536 = vector.broadcast %broadcast_in_dim3A : vector<1x1024xf32> to vector<8x1024xf32>
    %sub3A_537 = arith.subf %sub3A_536, %slice3A_534 : vector<8x1024xf32>
    %broadcast_in_dim3A_538 = vector.shape_cast %slice3A_535 : vector<8xf32> to vector<8x1xf32>
    %add3A_539 = vector.broadcast %broadcast_in_dim3A_538 : vector<8x1xf32> to vector<8x1024xf32>
    %add3A_540 = arith.addf %sub3A_537, %add3A_539 : vector<8x1024xf32>
    %lt3A_541 = arith.cmpf olt, %add3A_540, %select_n3A_529 : vector<8x1024xf32>
    %select_n3A_542 = arith.select %lt3A_541, %add3A_540, %select_n3A_529 : vector<8x1024xi1>, vector<8x1024xf32>
    %add3A_543 = arith.constant 320 : i32
    %add3A_544 = vector.broadcast %add3A_543 : i32 to vector<8x1024xi32>
    %add3A_545 = arith.addi %iota3A, %add3A_544 : vector<8x1024xi32>
    %select_n3A_546 = arith.select %lt3A_541, %add3A_545, %select_n3A_533 : vector<8x1024xi1>, vector<8x1024xi32>
    %slice3A_547 = vector.extract_strided_slice %dot_general3A_10 {offsets = [328, 0], sizes = [8, 1024], strides = [1, 1]} : vector<1024x1024xf32> to vector<8x1024xf32>
    %slice3A_548 = vector.extract_strided_slice %reduce_sum3A_14 {offsets = [328], sizes = [8], strides = [1]} : vector<1024xf32> to vector<8xf32>
    %sub3A_549 = vector.broadcast %broadcast_in_dim3A : vector<1x1024xf32> to vector<8x1024xf32>
    %sub3A_550 = arith.subf %sub3A_549, %slice3A_547 : vector<8x1024xf32>
    %broadcast_in_dim3A_551 = vector.shape_cast %slice3A_548 : vector<8xf32> to vector<8x1xf32>
    %add3A_552 = vector.broadcast %broadcast_in_dim3A_551 : vector<8x1xf32> to vector<8x1024xf32>
    %add3A_553 = arith.addf %sub3A_550, %add3A_552 : vector<8x1024xf32>
    %lt3A_554 = arith.cmpf olt, %add3A_553, %select_n3A_542 : vector<8x1024xf32>
    %select_n3A_555 = arith.select %lt3A_554, %add3A_553, %select_n3A_542 : vector<8x1024xi1>, vector<8x1024xf32>
    %add3A_556 = arith.constant 328 : i32
    %add3A_557 = vector.broadcast %add3A_556 : i32 to vector<8x1024xi32>
    %add3A_558 = arith.addi %iota3A, %add3A_557 : vector<8x1024xi32>
    %select_n3A_559 = arith.select %lt3A_554, %add3A_558, %select_n3A_546 : vector<8x1024xi1>, vector<8x1024xi32>
    %slice3A_560 = vector.extract_strided_slice %dot_general3A_10 {offsets = [336, 0], sizes = [8, 1024], strides = [1, 1]} : vector<1024x1024xf32> to vector<8x1024xf32>
    %slice3A_561 = vector.extract_strided_slice %reduce_sum3A_14 {offsets = [336], sizes = [8], strides = [1]} : vector<1024xf32> to vector<8xf32>
    %sub3A_562 = vector.broadcast %broadcast_in_dim3A : vector<1x1024xf32> to vector<8x1024xf32>
    %sub3A_563 = arith.subf %sub3A_562, %slice3A_560 : vector<8x1024xf32>
    %broadcast_in_dim3A_564 = vector.shape_cast %slice3A_561 : vector<8xf32> to vector<8x1xf32>
    %add3A_565 = vector.broadcast %broadcast_in_dim3A_564 : vector<8x1xf32> to vector<8x1024xf32>
    %add3A_566 = arith.addf %sub3A_563, %add3A_565 : vector<8x1024xf32>
    %lt3A_567 = arith.cmpf olt, %add3A_566, %select_n3A_555 : vector<8x1024xf32>
    %select_n3A_568 = arith.select %lt3A_567, %add3A_566, %select_n3A_555 : vector<8x1024xi1>, vector<8x1024xf32>
    %add3A_569 = arith.constant 336 : i32
    %add3A_570 = vector.broadcast %add3A_569 : i32 to vector<8x1024xi32>
    %add3A_571 = arith.addi %iota3A, %add3A_570 : vector<8x1024xi32>
    %select_n3A_572 = arith.select %lt3A_567, %add3A_571, %select_n3A_559 : vector<8x1024xi1>, vector<8x1024xi32>
    %slice3A_573 = vector.extract_strided_slice %dot_general3A_10 {offsets = [344, 0], sizes = [8, 1024], strides = [1, 1]} : vector<1024x1024xf32> to vector<8x1024xf32>
    %slice3A_574 = vector.extract_strided_slice %reduce_sum3A_14 {offsets = [344], sizes = [8], strides = [1]} : vector<1024xf32> to vector<8xf32>
    %sub3A_575 = vector.broadcast %broadcast_in_dim3A : vector<1x1024xf32> to vector<8x1024xf32>
    %sub3A_576 = arith.subf %sub3A_575, %slice3A_573 : vector<8x1024xf32>
    %broadcast_in_dim3A_577 = vector.shape_cast %slice3A_574 : vector<8xf32> to vector<8x1xf32>
    %add3A_578 = vector.broadcast %broadcast_in_dim3A_577 : vector<8x1xf32> to vector<8x1024xf32>
    %add3A_579 = arith.addf %sub3A_576, %add3A_578 : vector<8x1024xf32>
    %lt3A_580 = arith.cmpf olt, %add3A_579, %select_n3A_568 : vector<8x1024xf32>
    %select_n3A_581 = arith.select %lt3A_580, %add3A_579, %select_n3A_568 : vector<8x1024xi1>, vector<8x1024xf32>
    %add3A_582 = arith.constant 344 : i32
    %add3A_583 = vector.broadcast %add3A_582 : i32 to vector<8x1024xi32>
    %add3A_584 = arith.addi %iota3A, %add3A_583 : vector<8x1024xi32>
    %select_n3A_585 = arith.select %lt3A_580, %add3A_584, %select_n3A_572 : vector<8x1024xi1>, vector<8x1024xi32>
    %slice3A_586 = vector.extract_strided_slice %dot_general3A_10 {offsets = [352, 0], sizes = [8, 1024], strides = [1, 1]} : vector<1024x1024xf32> to vector<8x1024xf32>
    %slice3A_587 = vector.extract_strided_slice %reduce_sum3A_14 {offsets = [352], sizes = [8], strides = [1]} : vector<1024xf32> to vector<8xf32>
    %sub3A_588 = vector.broadcast %broadcast_in_dim3A : vector<1x1024xf32> to vector<8x1024xf32>
    %sub3A_589 = arith.subf %sub3A_588, %slice3A_586 : vector<8x1024xf32>
    %broadcast_in_dim3A_590 = vector.shape_cast %slice3A_587 : vector<8xf32> to vector<8x1xf32>
    %add3A_591 = vector.broadcast %broadcast_in_dim3A_590 : vector<8x1xf32> to vector<8x1024xf32>
    %add3A_592 = arith.addf %sub3A_589, %add3A_591 : vector<8x1024xf32>
    %lt3A_593 = arith.cmpf olt, %add3A_592, %select_n3A_581 : vector<8x1024xf32>
    %select_n3A_594 = arith.select %lt3A_593, %add3A_592, %select_n3A_581 : vector<8x1024xi1>, vector<8x1024xf32>
    %add3A_595 = arith.constant 352 : i32
    %add3A_596 = vector.broadcast %add3A_595 : i32 to vector<8x1024xi32>
    %add3A_597 = arith.addi %iota3A, %add3A_596 : vector<8x1024xi32>
    %select_n3A_598 = arith.select %lt3A_593, %add3A_597, %select_n3A_585 : vector<8x1024xi1>, vector<8x1024xi32>
    %slice3A_599 = vector.extract_strided_slice %dot_general3A_10 {offsets = [360, 0], sizes = [8, 1024], strides = [1, 1]} : vector<1024x1024xf32> to vector<8x1024xf32>
    %slice3A_600 = vector.extract_strided_slice %reduce_sum3A_14 {offsets = [360], sizes = [8], strides = [1]} : vector<1024xf32> to vector<8xf32>
    %sub3A_601 = vector.broadcast %broadcast_in_dim3A : vector<1x1024xf32> to vector<8x1024xf32>
    %sub3A_602 = arith.subf %sub3A_601, %slice3A_599 : vector<8x1024xf32>
    %broadcast_in_dim3A_603 = vector.shape_cast %slice3A_600 : vector<8xf32> to vector<8x1xf32>
    %add3A_604 = vector.broadcast %broadcast_in_dim3A_603 : vector<8x1xf32> to vector<8x1024xf32>
    %add3A_605 = arith.addf %sub3A_602, %add3A_604 : vector<8x1024xf32>
    %lt3A_606 = arith.cmpf olt, %add3A_605, %select_n3A_594 : vector<8x1024xf32>
    %select_n3A_607 = arith.select %lt3A_606, %add3A_605, %select_n3A_594 : vector<8x1024xi1>, vector<8x1024xf32>
    %add3A_608 = arith.constant 360 : i32
    %add3A_609 = vector.broadcast %add3A_608 : i32 to vector<8x1024xi32>
    %add3A_610 = arith.addi %iota3A, %add3A_609 : vector<8x1024xi32>
    %select_n3A_611 = arith.select %lt3A_606, %add3A_610, %select_n3A_598 : vector<8x1024xi1>, vector<8x1024xi32>
    %slice3A_612 = vector.extract_strided_slice %dot_general3A_10 {offsets = [368, 0], sizes = [8, 1024], strides = [1, 1]} : vector<1024x1024xf32> to vector<8x1024xf32>
    %slice3A_613 = vector.extract_strided_slice %reduce_sum3A_14 {offsets = [368], sizes = [8], strides = [1]} : vector<1024xf32> to vector<8xf32>
    %sub3A_614 = vector.broadcast %broadcast_in_dim3A : vector<1x1024xf32> to vector<8x1024xf32>
    %sub3A_615 = arith.subf %sub3A_614, %slice3A_612 : vector<8x1024xf32>
    %broadcast_in_dim3A_616 = vector.shape_cast %slice3A_613 : vector<8xf32> to vector<8x1xf32>
    %add3A_617 = vector.broadcast %broadcast_in_dim3A_616 : vector<8x1xf32> to vector<8x1024xf32>
    %add3A_618 = arith.addf %sub3A_615, %add3A_617 : vector<8x1024xf32>
    %lt3A_619 = arith.cmpf olt, %add3A_618, %select_n3A_607 : vector<8x1024xf32>
    %select_n3A_620 = arith.select %lt3A_619, %add3A_618, %select_n3A_607 : vector<8x1024xi1>, vector<8x1024xf32>
    %add3A_621 = arith.constant 368 : i32
    %add3A_622 = vector.broadcast %add3A_621 : i32 to vector<8x1024xi32>
    %add3A_623 = arith.addi %iota3A, %add3A_622 : vector<8x1024xi32>
    %select_n3A_624 = arith.select %lt3A_619, %add3A_623, %select_n3A_611 : vector<8x1024xi1>, vector<8x1024xi32>
    %slice3A_625 = vector.extract_strided_slice %dot_general3A_10 {offsets = [376, 0], sizes = [8, 1024], strides = [1, 1]} : vector<1024x1024xf32> to vector<8x1024xf32>
    %slice3A_626 = vector.extract_strided_slice %reduce_sum3A_14 {offsets = [376], sizes = [8], strides = [1]} : vector<1024xf32> to vector<8xf32>
    %sub3A_627 = vector.broadcast %broadcast_in_dim3A : vector<1x1024xf32> to vector<8x1024xf32>
    %sub3A_628 = arith.subf %sub3A_627, %slice3A_625 : vector<8x1024xf32>
    %broadcast_in_dim3A_629 = vector.shape_cast %slice3A_626 : vector<8xf32> to vector<8x1xf32>
    %add3A_630 = vector.broadcast %broadcast_in_dim3A_629 : vector<8x1xf32> to vector<8x1024xf32>
    %add3A_631 = arith.addf %sub3A_628, %add3A_630 : vector<8x1024xf32>
    %lt3A_632 = arith.cmpf olt, %add3A_631, %select_n3A_620 : vector<8x1024xf32>
    %select_n3A_633 = arith.select %lt3A_632, %add3A_631, %select_n3A_620 : vector<8x1024xi1>, vector<8x1024xf32>
    %add3A_634 = arith.constant 376 : i32
    %add3A_635 = vector.broadcast %add3A_634 : i32 to vector<8x1024xi32>
    %add3A_636 = arith.addi %iota3A, %add3A_635 : vector<8x1024xi32>
    %select_n3A_637 = arith.select %lt3A_632, %add3A_636, %select_n3A_624 : vector<8x1024xi1>, vector<8x1024xi32>
    %slice3A_638 = vector.extract_strided_slice %dot_general3A_10 {offsets = [384, 0], sizes = [8, 1024], strides = [1, 1]} : vector<1024x1024xf32> to vector<8x1024xf32>
    %slice3A_639 = vector.extract_strided_slice %reduce_sum3A_14 {offsets = [384], sizes = [8], strides = [1]} : vector<1024xf32> to vector<8xf32>
    %sub3A_640 = vector.broadcast %broadcast_in_dim3A : vector<1x1024xf32> to vector<8x1024xf32>
    %sub3A_641 = arith.subf %sub3A_640, %slice3A_638 : vector<8x1024xf32>
    %broadcast_in_dim3A_642 = vector.shape_cast %slice3A_639 : vector<8xf32> to vector<8x1xf32>
    %add3A_643 = vector.broadcast %broadcast_in_dim3A_642 : vector<8x1xf32> to vector<8x1024xf32>
    %add3A_644 = arith.addf %sub3A_641, %add3A_643 : vector<8x1024xf32>
    %lt3A_645 = arith.cmpf olt, %add3A_644, %select_n3A_633 : vector<8x1024xf32>
    %select_n3A_646 = arith.select %lt3A_645, %add3A_644, %select_n3A_633 : vector<8x1024xi1>, vector<8x1024xf32>
    %add3A_647 = arith.constant 384 : i32
    %add3A_648 = vector.broadcast %add3A_647 : i32 to vector<8x1024xi32>
    %add3A_649 = arith.addi %iota3A, %add3A_648 : vector<8x1024xi32>
    %select_n3A_650 = arith.select %lt3A_645, %add3A_649, %select_n3A_637 : vector<8x1024xi1>, vector<8x1024xi32>
    %slice3A_651 = vector.extract_strided_slice %dot_general3A_10 {offsets = [392, 0], sizes = [8, 1024], strides = [1, 1]} : vector<1024x1024xf32> to vector<8x1024xf32>
    %slice3A_652 = vector.extract_strided_slice %reduce_sum3A_14 {offsets = [392], sizes = [8], strides = [1]} : vector<1024xf32> to vector<8xf32>
    %sub3A_653 = vector.broadcast %broadcast_in_dim3A : vector<1x1024xf32> to vector<8x1024xf32>
    %sub3A_654 = arith.subf %sub3A_653, %slice3A_651 : vector<8x1024xf32>
    %broadcast_in_dim3A_655 = vector.shape_cast %slice3A_652 : vector<8xf32> to vector<8x1xf32>
    %add3A_656 = vector.broadcast %broadcast_in_dim3A_655 : vector<8x1xf32> to vector<8x1024xf32>
    %add3A_657 = arith.addf %sub3A_654, %add3A_656 : vector<8x1024xf32>
    %lt3A_658 = arith.cmpf olt, %add3A_657, %select_n3A_646 : vector<8x1024xf32>
    %select_n3A_659 = arith.select %lt3A_658, %add3A_657, %select_n3A_646 : vector<8x1024xi1>, vector<8x1024xf32>
    %add3A_660 = arith.constant 392 : i32
    %add3A_661 = vector.broadcast %add3A_660 : i32 to vector<8x1024xi32>
    %add3A_662 = arith.addi %iota3A, %add3A_661 : vector<8x1024xi32>
    %select_n3A_663 = arith.select %lt3A_658, %add3A_662, %select_n3A_650 : vector<8x1024xi1>, vector<8x1024xi32>
    %slice3A_664 = vector.extract_strided_slice %dot_general3A_10 {offsets = [400, 0], sizes = [8, 1024], strides = [1, 1]} : vector<1024x1024xf32> to vector<8x1024xf32>
    %slice3A_665 = vector.extract_strided_slice %reduce_sum3A_14 {offsets = [400], sizes = [8], strides = [1]} : vector<1024xf32> to vector<8xf32>
    %sub3A_666 = vector.broadcast %broadcast_in_dim3A : vector<1x1024xf32> to vector<8x1024xf32>
    %sub3A_667 = arith.subf %sub3A_666, %slice3A_664 : vector<8x1024xf32>
    %broadcast_in_dim3A_668 = vector.shape_cast %slice3A_665 : vector<8xf32> to vector<8x1xf32>
    %add3A_669 = vector.broadcast %broadcast_in_dim3A_668 : vector<8x1xf32> to vector<8x1024xf32>
    %add3A_670 = arith.addf %sub3A_667, %add3A_669 : vector<8x1024xf32>
    %lt3A_671 = arith.cmpf olt, %add3A_670, %select_n3A_659 : vector<8x1024xf32>
    %select_n3A_672 = arith.select %lt3A_671, %add3A_670, %select_n3A_659 : vector<8x1024xi1>, vector<8x1024xf32>
    %add3A_673 = arith.constant 400 : i32
    %add3A_674 = vector.broadcast %add3A_673 : i32 to vector<8x1024xi32>
    %add3A_675 = arith.addi %iota3A, %add3A_674 : vector<8x1024xi32>
    %select_n3A_676 = arith.select %lt3A_671, %add3A_675, %select_n3A_663 : vector<8x1024xi1>, vector<8x1024xi32>
    %slice3A_677 = vector.extract_strided_slice %dot_general3A_10 {offsets = [408, 0], sizes = [8, 1024], strides = [1, 1]} : vector<1024x1024xf32> to vector<8x1024xf32>
    %slice3A_678 = vector.extract_strided_slice %reduce_sum3A_14 {offsets = [408], sizes = [8], strides = [1]} : vector<1024xf32> to vector<8xf32>
    %sub3A_679 = vector.broadcast %broadcast_in_dim3A : vector<1x1024xf32> to vector<8x1024xf32>
    %sub3A_680 = arith.subf %sub3A_679, %slice3A_677 : vector<8x1024xf32>
    %broadcast_in_dim3A_681 = vector.shape_cast %slice3A_678 : vector<8xf32> to vector<8x1xf32>
    %add3A_682 = vector.broadcast %broadcast_in_dim3A_681 : vector<8x1xf32> to vector<8x1024xf32>
    %add3A_683 = arith.addf %sub3A_680, %add3A_682 : vector<8x1024xf32>
    %lt3A_684 = arith.cmpf olt, %add3A_683, %select_n3A_672 : vector<8x1024xf32>
    %select_n3A_685 = arith.select %lt3A_684, %add3A_683, %select_n3A_672 : vector<8x1024xi1>, vector<8x1024xf32>
    %add3A_686 = arith.constant 408 : i32
    %add3A_687 = vector.broadcast %add3A_686 : i32 to vector<8x1024xi32>
    %add3A_688 = arith.addi %iota3A, %add3A_687 : vector<8x1024xi32>
    %select_n3A_689 = arith.select %lt3A_684, %add3A_688, %select_n3A_676 : vector<8x1024xi1>, vector<8x1024xi32>
    %slice3A_690 = vector.extract_strided_slice %dot_general3A_10 {offsets = [416, 0], sizes = [8, 1024], strides = [1, 1]} : vector<1024x1024xf32> to vector<8x1024xf32>
    %slice3A_691 = vector.extract_strided_slice %reduce_sum3A_14 {offsets = [416], sizes = [8], strides = [1]} : vector<1024xf32> to vector<8xf32>
    %sub3A_692 = vector.broadcast %broadcast_in_dim3A : vector<1x1024xf32> to vector<8x1024xf32>
    %sub3A_693 = arith.subf %sub3A_692, %slice3A_690 : vector<8x1024xf32>
    %broadcast_in_dim3A_694 = vector.shape_cast %slice3A_691 : vector<8xf32> to vector<8x1xf32>
    %add3A_695 = vector.broadcast %broadcast_in_dim3A_694 : vector<8x1xf32> to vector<8x1024xf32>
    %add3A_696 = arith.addf %sub3A_693, %add3A_695 : vector<8x1024xf32>
    %lt3A_697 = arith.cmpf olt, %add3A_696, %select_n3A_685 : vector<8x1024xf32>
    %select_n3A_698 = arith.select %lt3A_697, %add3A_696, %select_n3A_685 : vector<8x1024xi1>, vector<8x1024xf32>
    %add3A_699 = arith.constant 416 : i32
    %add3A_700 = vector.broadcast %add3A_699 : i32 to vector<8x1024xi32>
    %add3A_701 = arith.addi %iota3A, %add3A_700 : vector<8x1024xi32>
    %select_n3A_702 = arith.select %lt3A_697, %add3A_701, %select_n3A_689 : vector<8x1024xi1>, vector<8x1024xi32>
    %slice3A_703 = vector.extract_strided_slice %dot_general3A_10 {offsets = [424, 0], sizes = [8, 1024], strides = [1, 1]} : vector<1024x1024xf32> to vector<8x1024xf32>
    %slice3A_704 = vector.extract_strided_slice %reduce_sum3A_14 {offsets = [424], sizes = [8], strides = [1]} : vector<1024xf32> to vector<8xf32>
    %sub3A_705 = vector.broadcast %broadcast_in_dim3A : vector<1x1024xf32> to vector<8x1024xf32>
    %sub3A_706 = arith.subf %sub3A_705, %slice3A_703 : vector<8x1024xf32>
    %broadcast_in_dim3A_707 = vector.shape_cast %slice3A_704 : vector<8xf32> to vector<8x1xf32>
    %add3A_708 = vector.broadcast %broadcast_in_dim3A_707 : vector<8x1xf32> to vector<8x1024xf32>
    %add3A_709 = arith.addf %sub3A_706, %add3A_708 : vector<8x1024xf32>
    %lt3A_710 = arith.cmpf olt, %add3A_709, %select_n3A_698 : vector<8x1024xf32>
    %select_n3A_711 = arith.select %lt3A_710, %add3A_709, %select_n3A_698 : vector<8x1024xi1>, vector<8x1024xf32>
    %add3A_712 = arith.constant 424 : i32
    %add3A_713 = vector.broadcast %add3A_712 : i32 to vector<8x1024xi32>
    %add3A_714 = arith.addi %iota3A, %add3A_713 : vector<8x1024xi32>
    %select_n3A_715 = arith.select %lt3A_710, %add3A_714, %select_n3A_702 : vector<8x1024xi1>, vector<8x1024xi32>
    %slice3A_716 = vector.extract_strided_slice %dot_general3A_10 {offsets = [432, 0], sizes = [8, 1024], strides = [1, 1]} : vector<1024x1024xf32> to vector<8x1024xf32>
    %slice3A_717 = vector.extract_strided_slice %reduce_sum3A_14 {offsets = [432], sizes = [8], strides = [1]} : vector<1024xf32> to vector<8xf32>
    %sub3A_718 = vector.broadcast %broadcast_in_dim3A : vector<1x1024xf32> to vector<8x1024xf32>
    %sub3A_719 = arith.subf %sub3A_718, %slice3A_716 : vector<8x1024xf32>
    %broadcast_in_dim3A_720 = vector.shape_cast %slice3A_717 : vector<8xf32> to vector<8x1xf32>
    %add3A_721 = vector.broadcast %broadcast_in_dim3A_720 : vector<8x1xf32> to vector<8x1024xf32>
    %add3A_722 = arith.addf %sub3A_719, %add3A_721 : vector<8x1024xf32>
    %lt3A_723 = arith.cmpf olt, %add3A_722, %select_n3A_711 : vector<8x1024xf32>
    %select_n3A_724 = arith.select %lt3A_723, %add3A_722, %select_n3A_711 : vector<8x1024xi1>, vector<8x1024xf32>
    %add3A_725 = arith.constant 432 : i32
    %add3A_726 = vector.broadcast %add3A_725 : i32 to vector<8x1024xi32>
    %add3A_727 = arith.addi %iota3A, %add3A_726 : vector<8x1024xi32>
    %select_n3A_728 = arith.select %lt3A_723, %add3A_727, %select_n3A_715 : vector<8x1024xi1>, vector<8x1024xi32>
    %slice3A_729 = vector.extract_strided_slice %dot_general3A_10 {offsets = [440, 0], sizes = [8, 1024], strides = [1, 1]} : vector<1024x1024xf32> to vector<8x1024xf32>
    %slice3A_730 = vector.extract_strided_slice %reduce_sum3A_14 {offsets = [440], sizes = [8], strides = [1]} : vector<1024xf32> to vector<8xf32>
    %sub3A_731 = vector.broadcast %broadcast_in_dim3A : vector<1x1024xf32> to vector<8x1024xf32>
    %sub3A_732 = arith.subf %sub3A_731, %slice3A_729 : vector<8x1024xf32>
    %broadcast_in_dim3A_733 = vector.shape_cast %slice3A_730 : vector<8xf32> to vector<8x1xf32>
    %add3A_734 = vector.broadcast %broadcast_in_dim3A_733 : vector<8x1xf32> to vector<8x1024xf32>
    %add3A_735 = arith.addf %sub3A_732, %add3A_734 : vector<8x1024xf32>
    %lt3A_736 = arith.cmpf olt, %add3A_735, %select_n3A_724 : vector<8x1024xf32>
    %select_n3A_737 = arith.select %lt3A_736, %add3A_735, %select_n3A_724 : vector<8x1024xi1>, vector<8x1024xf32>
    %add3A_738 = arith.constant 440 : i32
    %add3A_739 = vector.broadcast %add3A_738 : i32 to vector<8x1024xi32>
    %add3A_740 = arith.addi %iota3A, %add3A_739 : vector<8x1024xi32>
    %select_n3A_741 = arith.select %lt3A_736, %add3A_740, %select_n3A_728 : vector<8x1024xi1>, vector<8x1024xi32>
    %slice3A_742 = vector.extract_strided_slice %dot_general3A_10 {offsets = [448, 0], sizes = [8, 1024], strides = [1, 1]} : vector<1024x1024xf32> to vector<8x1024xf32>
    %slice3A_743 = vector.extract_strided_slice %reduce_sum3A_14 {offsets = [448], sizes = [8], strides = [1]} : vector<1024xf32> to vector<8xf32>
    %sub3A_744 = vector.broadcast %broadcast_in_dim3A : vector<1x1024xf32> to vector<8x1024xf32>
    %sub3A_745 = arith.subf %sub3A_744, %slice3A_742 : vector<8x1024xf32>
    %broadcast_in_dim3A_746 = vector.shape_cast %slice3A_743 : vector<8xf32> to vector<8x1xf32>
    %add3A_747 = vector.broadcast %broadcast_in_dim3A_746 : vector<8x1xf32> to vector<8x1024xf32>
    %add3A_748 = arith.addf %sub3A_745, %add3A_747 : vector<8x1024xf32>
    %lt3A_749 = arith.cmpf olt, %add3A_748, %select_n3A_737 : vector<8x1024xf32>
    %select_n3A_750 = arith.select %lt3A_749, %add3A_748, %select_n3A_737 : vector<8x1024xi1>, vector<8x1024xf32>
    %add3A_751 = arith.constant 448 : i32
    %add3A_752 = vector.broadcast %add3A_751 : i32 to vector<8x1024xi32>
    %add3A_753 = arith.addi %iota3A, %add3A_752 : vector<8x1024xi32>
    %select_n3A_754 = arith.select %lt3A_749, %add3A_753, %select_n3A_741 : vector<8x1024xi1>, vector<8x1024xi32>
    %slice3A_755 = vector.extract_strided_slice %dot_general3A_10 {offsets = [456, 0], sizes = [8, 1024], strides = [1, 1]} : vector<1024x1024xf32> to vector<8x1024xf32>
    %slice3A_756 = vector.extract_strided_slice %reduce_sum3A_14 {offsets = [456], sizes = [8], strides = [1]} : vector<1024xf32> to vector<8xf32>
    %sub3A_757 = vector.broadcast %broadcast_in_dim3A : vector<1x1024xf32> to vector<8x1024xf32>
    %sub3A_758 = arith.subf %sub3A_757, %slice3A_755 : vector<8x1024xf32>
    %broadcast_in_dim3A_759 = vector.shape_cast %slice3A_756 : vector<8xf32> to vector<8x1xf32>
    %add3A_760 = vector.broadcast %broadcast_in_dim3A_759 : vector<8x1xf32> to vector<8x1024xf32>
    %add3A_761 = arith.addf %sub3A_758, %add3A_760 : vector<8x1024xf32>
    %lt3A_762 = arith.cmpf olt, %add3A_761, %select_n3A_750 : vector<8x1024xf32>
    %select_n3A_763 = arith.select %lt3A_762, %add3A_761, %select_n3A_750 : vector<8x1024xi1>, vector<8x1024xf32>
    %add3A_764 = arith.constant 456 : i32
    %add3A_765 = vector.broadcast %add3A_764 : i32 to vector<8x1024xi32>
    %add3A_766 = arith.addi %iota3A, %add3A_765 : vector<8x1024xi32>
    %select_n3A_767 = arith.select %lt3A_762, %add3A_766, %select_n3A_754 : vector<8x1024xi1>, vector<8x1024xi32>
    %slice3A_768 = vector.extract_strided_slice %dot_general3A_10 {offsets = [464, 0], sizes = [8, 1024], strides = [1, 1]} : vector<1024x1024xf32> to vector<8x1024xf32>
    %slice3A_769 = vector.extract_strided_slice %reduce_sum3A_14 {offsets = [464], sizes = [8], strides = [1]} : vector<1024xf32> to vector<8xf32>
    %sub3A_770 = vector.broadcast %broadcast_in_dim3A : vector<1x1024xf32> to vector<8x1024xf32>
    %sub3A_771 = arith.subf %sub3A_770, %slice3A_768 : vector<8x1024xf32>
    %broadcast_in_dim3A_772 = vector.shape_cast %slice3A_769 : vector<8xf32> to vector<8x1xf32>
    %add3A_773 = vector.broadcast %broadcast_in_dim3A_772 : vector<8x1xf32> to vector<8x1024xf32>
    %add3A_774 = arith.addf %sub3A_771, %add3A_773 : vector<8x1024xf32>
    %lt3A_775 = arith.cmpf olt, %add3A_774, %select_n3A_763 : vector<8x1024xf32>
    %select_n3A_776 = arith.select %lt3A_775, %add3A_774, %select_n3A_763 : vector<8x1024xi1>, vector<8x1024xf32>
    %add3A_777 = arith.constant 464 : i32
    %add3A_778 = vector.broadcast %add3A_777 : i32 to vector<8x1024xi32>
    %add3A_779 = arith.addi %iota3A, %add3A_778 : vector<8x1024xi32>
    %select_n3A_780 = arith.select %lt3A_775, %add3A_779, %select_n3A_767 : vector<8x1024xi1>, vector<8x1024xi32>
    %slice3A_781 = vector.extract_strided_slice %dot_general3A_10 {offsets = [472, 0], sizes = [8, 1024], strides = [1, 1]} : vector<1024x1024xf32> to vector<8x1024xf32>
    %slice3A_782 = vector.extract_strided_slice %reduce_sum3A_14 {offsets = [472], sizes = [8], strides = [1]} : vector<1024xf32> to vector<8xf32>
    %sub3A_783 = vector.broadcast %broadcast_in_dim3A : vector<1x1024xf32> to vector<8x1024xf32>
    %sub3A_784 = arith.subf %sub3A_783, %slice3A_781 : vector<8x1024xf32>
    %broadcast_in_dim3A_785 = vector.shape_cast %slice3A_782 : vector<8xf32> to vector<8x1xf32>
    %add3A_786 = vector.broadcast %broadcast_in_dim3A_785 : vector<8x1xf32> to vector<8x1024xf32>
    %add3A_787 = arith.addf %sub3A_784, %add3A_786 : vector<8x1024xf32>
    %lt3A_788 = arith.cmpf olt, %add3A_787, %select_n3A_776 : vector<8x1024xf32>
    %select_n3A_789 = arith.select %lt3A_788, %add3A_787, %select_n3A_776 : vector<8x1024xi1>, vector<8x1024xf32>
    %add3A_790 = arith.constant 472 : i32
    %add3A_791 = vector.broadcast %add3A_790 : i32 to vector<8x1024xi32>
    %add3A_792 = arith.addi %iota3A, %add3A_791 : vector<8x1024xi32>
    %select_n3A_793 = arith.select %lt3A_788, %add3A_792, %select_n3A_780 : vector<8x1024xi1>, vector<8x1024xi32>
    %slice3A_794 = vector.extract_strided_slice %dot_general3A_10 {offsets = [480, 0], sizes = [8, 1024], strides = [1, 1]} : vector<1024x1024xf32> to vector<8x1024xf32>
    %slice3A_795 = vector.extract_strided_slice %reduce_sum3A_14 {offsets = [480], sizes = [8], strides = [1]} : vector<1024xf32> to vector<8xf32>
    %sub3A_796 = vector.broadcast %broadcast_in_dim3A : vector<1x1024xf32> to vector<8x1024xf32>
    %sub3A_797 = arith.subf %sub3A_796, %slice3A_794 : vector<8x1024xf32>
    %broadcast_in_dim3A_798 = vector.shape_cast %slice3A_795 : vector<8xf32> to vector<8x1xf32>
    %add3A_799 = vector.broadcast %broadcast_in_dim3A_798 : vector<8x1xf32> to vector<8x1024xf32>
    %add3A_800 = arith.addf %sub3A_797, %add3A_799 : vector<8x1024xf32>
    %lt3A_801 = arith.cmpf olt, %add3A_800, %select_n3A_789 : vector<8x1024xf32>
    %select_n3A_802 = arith.select %lt3A_801, %add3A_800, %select_n3A_789 : vector<8x1024xi1>, vector<8x1024xf32>
    %add3A_803 = arith.constant 480 : i32
    %add3A_804 = vector.broadcast %add3A_803 : i32 to vector<8x1024xi32>
    %add3A_805 = arith.addi %iota3A, %add3A_804 : vector<8x1024xi32>
    %select_n3A_806 = arith.select %lt3A_801, %add3A_805, %select_n3A_793 : vector<8x1024xi1>, vector<8x1024xi32>
    %slice3A_807 = vector.extract_strided_slice %dot_general3A_10 {offsets = [488, 0], sizes = [8, 1024], strides = [1, 1]} : vector<1024x1024xf32> to vector<8x1024xf32>
    %slice3A_808 = vector.extract_strided_slice %reduce_sum3A_14 {offsets = [488], sizes = [8], strides = [1]} : vector<1024xf32> to vector<8xf32>
    %sub3A_809 = vector.broadcast %broadcast_in_dim3A : vector<1x1024xf32> to vector<8x1024xf32>
    %sub3A_810 = arith.subf %sub3A_809, %slice3A_807 : vector<8x1024xf32>
    %broadcast_in_dim3A_811 = vector.shape_cast %slice3A_808 : vector<8xf32> to vector<8x1xf32>
    %add3A_812 = vector.broadcast %broadcast_in_dim3A_811 : vector<8x1xf32> to vector<8x1024xf32>
    %add3A_813 = arith.addf %sub3A_810, %add3A_812 : vector<8x1024xf32>
    %lt3A_814 = arith.cmpf olt, %add3A_813, %select_n3A_802 : vector<8x1024xf32>
    %select_n3A_815 = arith.select %lt3A_814, %add3A_813, %select_n3A_802 : vector<8x1024xi1>, vector<8x1024xf32>
    %add3A_816 = arith.constant 488 : i32
    %add3A_817 = vector.broadcast %add3A_816 : i32 to vector<8x1024xi32>
    %add3A_818 = arith.addi %iota3A, %add3A_817 : vector<8x1024xi32>
    %select_n3A_819 = arith.select %lt3A_814, %add3A_818, %select_n3A_806 : vector<8x1024xi1>, vector<8x1024xi32>
    %slice3A_820 = vector.extract_strided_slice %dot_general3A_10 {offsets = [496, 0], sizes = [8, 1024], strides = [1, 1]} : vector<1024x1024xf32> to vector<8x1024xf32>
    %slice3A_821 = vector.extract_strided_slice %reduce_sum3A_14 {offsets = [496], sizes = [8], strides = [1]} : vector<1024xf32> to vector<8xf32>
    %sub3A_822 = vector.broadcast %broadcast_in_dim3A : vector<1x1024xf32> to vector<8x1024xf32>
    %sub3A_823 = arith.subf %sub3A_822, %slice3A_820 : vector<8x1024xf32>
    %broadcast_in_dim3A_824 = vector.shape_cast %slice3A_821 : vector<8xf32> to vector<8x1xf32>
    %add3A_825 = vector.broadcast %broadcast_in_dim3A_824 : vector<8x1xf32> to vector<8x1024xf32>
    %add3A_826 = arith.addf %sub3A_823, %add3A_825 : vector<8x1024xf32>
    %lt3A_827 = arith.cmpf olt, %add3A_826, %select_n3A_815 : vector<8x1024xf32>
    %select_n3A_828 = arith.select %lt3A_827, %add3A_826, %select_n3A_815 : vector<8x1024xi1>, vector<8x1024xf32>
    %add3A_829 = arith.constant 496 : i32
    %add3A_830 = vector.broadcast %add3A_829 : i32 to vector<8x1024xi32>
    %add3A_831 = arith.addi %iota3A, %add3A_830 : vector<8x1024xi32>
    %select_n3A_832 = arith.select %lt3A_827, %add3A_831, %select_n3A_819 : vector<8x1024xi1>, vector<8x1024xi32>
    %slice3A_833 = vector.extract_strided_slice %dot_general3A_10 {offsets = [504, 0], sizes = [8, 1024], strides = [1, 1]} : vector<1024x1024xf32> to vector<8x1024xf32>
    %slice3A_834 = vector.extract_strided_slice %reduce_sum3A_14 {offsets = [504], sizes = [8], strides = [1]} : vector<1024xf32> to vector<8xf32>
    %sub3A_835 = vector.broadcast %broadcast_in_dim3A : vector<1x1024xf32> to vector<8x1024xf32>
    %sub3A_836 = arith.subf %sub3A_835, %slice3A_833 : vector<8x1024xf32>
    %broadcast_in_dim3A_837 = vector.shape_cast %slice3A_834 : vector<8xf32> to vector<8x1xf32>
    %add3A_838 = vector.broadcast %broadcast_in_dim3A_837 : vector<8x1xf32> to vector<8x1024xf32>
    %add3A_839 = arith.addf %sub3A_836, %add3A_838 : vector<8x1024xf32>
    %lt3A_840 = arith.cmpf olt, %add3A_839, %select_n3A_828 : vector<8x1024xf32>
    %select_n3A_841 = arith.select %lt3A_840, %add3A_839, %select_n3A_828 : vector<8x1024xi1>, vector<8x1024xf32>
    %add3A_842 = arith.constant 504 : i32
    %add3A_843 = vector.broadcast %add3A_842 : i32 to vector<8x1024xi32>
    %add3A_844 = arith.addi %iota3A, %add3A_843 : vector<8x1024xi32>
    %select_n3A_845 = arith.select %lt3A_840, %add3A_844, %select_n3A_832 : vector<8x1024xi1>, vector<8x1024xi32>
    %slice3A_846 = vector.extract_strided_slice %dot_general3A_10 {offsets = [512, 0], sizes = [8, 1024], strides = [1, 1]} : vector<1024x1024xf32> to vector<8x1024xf32>
    %slice3A_847 = vector.extract_strided_slice %reduce_sum3A_14 {offsets = [512], sizes = [8], strides = [1]} : vector<1024xf32> to vector<8xf32>
    %sub3A_848 = vector.broadcast %broadcast_in_dim3A : vector<1x1024xf32> to vector<8x1024xf32>
    %sub3A_849 = arith.subf %sub3A_848, %slice3A_846 : vector<8x1024xf32>
    %broadcast_in_dim3A_850 = vector.shape_cast %slice3A_847 : vector<8xf32> to vector<8x1xf32>
    %add3A_851 = vector.broadcast %broadcast_in_dim3A_850 : vector<8x1xf32> to vector<8x1024xf32>
    %add3A_852 = arith.addf %sub3A_849, %add3A_851 : vector<8x1024xf32>
    %lt3A_853 = arith.cmpf olt, %add3A_852, %select_n3A_841 : vector<8x1024xf32>
    %select_n3A_854 = arith.select %lt3A_853, %add3A_852, %select_n3A_841 : vector<8x1024xi1>, vector<8x1024xf32>
    %add3A_855 = arith.constant 512 : i32
    %add3A_856 = vector.broadcast %add3A_855 : i32 to vector<8x1024xi32>
    %add3A_857 = arith.addi %iota3A, %add3A_856 : vector<8x1024xi32>
    %select_n3A_858 = arith.select %lt3A_853, %add3A_857, %select_n3A_845 : vector<8x1024xi1>, vector<8x1024xi32>
    %slice3A_859 = vector.extract_strided_slice %dot_general3A_10 {offsets = [520, 0], sizes = [8, 1024], strides = [1, 1]} : vector<1024x1024xf32> to vector<8x1024xf32>
    %slice3A_860 = vector.extract_strided_slice %reduce_sum3A_14 {offsets = [520], sizes = [8], strides = [1]} : vector<1024xf32> to vector<8xf32>
    %sub3A_861 = vector.broadcast %broadcast_in_dim3A : vector<1x1024xf32> to vector<8x1024xf32>
    %sub3A_862 = arith.subf %sub3A_861, %slice3A_859 : vector<8x1024xf32>
    %broadcast_in_dim3A_863 = vector.shape_cast %slice3A_860 : vector<8xf32> to vector<8x1xf32>
    %add3A_864 = vector.broadcast %broadcast_in_dim3A_863 : vector<8x1xf32> to vector<8x1024xf32>
    %add3A_865 = arith.addf %sub3A_862, %add3A_864 : vector<8x1024xf32>
    %lt3A_866 = arith.cmpf olt, %add3A_865, %select_n3A_854 : vector<8x1024xf32>
    %select_n3A_867 = arith.select %lt3A_866, %add3A_865, %select_n3A_854 : vector<8x1024xi1>, vector<8x1024xf32>
    %add3A_868 = arith.constant 520 : i32
    %add3A_869 = vector.broadcast %add3A_868 : i32 to vector<8x1024xi32>
    %add3A_870 = arith.addi %iota3A, %add3A_869 : vector<8x1024xi32>
    %select_n3A_871 = arith.select %lt3A_866, %add3A_870, %select_n3A_858 : vector<8x1024xi1>, vector<8x1024xi32>
    %slice3A_872 = vector.extract_strided_slice %dot_general3A_10 {offsets = [528, 0], sizes = [8, 1024], strides = [1, 1]} : vector<1024x1024xf32> to vector<8x1024xf32>
    %slice3A_873 = vector.extract_strided_slice %reduce_sum3A_14 {offsets = [528], sizes = [8], strides = [1]} : vector<1024xf32> to vector<8xf32>
    %sub3A_874 = vector.broadcast %broadcast_in_dim3A : vector<1x1024xf32> to vector<8x1024xf32>
    %sub3A_875 = arith.subf %sub3A_874, %slice3A_872 : vector<8x1024xf32>
    %broadcast_in_dim3A_876 = vector.shape_cast %slice3A_873 : vector<8xf32> to vector<8x1xf32>
    %add3A_877 = vector.broadcast %broadcast_in_dim3A_876 : vector<8x1xf32> to vector<8x1024xf32>
    %add3A_878 = arith.addf %sub3A_875, %add3A_877 : vector<8x1024xf32>
    %lt3A_879 = arith.cmpf olt, %add3A_878, %select_n3A_867 : vector<8x1024xf32>
    %select_n3A_880 = arith.select %lt3A_879, %add3A_878, %select_n3A_867 : vector<8x1024xi1>, vector<8x1024xf32>
    %add3A_881 = arith.constant 528 : i32
    %add3A_882 = vector.broadcast %add3A_881 : i32 to vector<8x1024xi32>
    %add3A_883 = arith.addi %iota3A, %add3A_882 : vector<8x1024xi32>
    %select_n3A_884 = arith.select %lt3A_879, %add3A_883, %select_n3A_871 : vector<8x1024xi1>, vector<8x1024xi32>
    %slice3A_885 = vector.extract_strided_slice %dot_general3A_10 {offsets = [536, 0], sizes = [8, 1024], strides = [1, 1]} : vector<1024x1024xf32> to vector<8x1024xf32>
    %slice3A_886 = vector.extract_strided_slice %reduce_sum3A_14 {offsets = [536], sizes = [8], strides = [1]} : vector<1024xf32> to vector<8xf32>
    %sub3A_887 = vector.broadcast %broadcast_in_dim3A : vector<1x1024xf32> to vector<8x1024xf32>
    %sub3A_888 = arith.subf %sub3A_887, %slice3A_885 : vector<8x1024xf32>
    %broadcast_in_dim3A_889 = vector.shape_cast %slice3A_886 : vector<8xf32> to vector<8x1xf32>
    %add3A_890 = vector.broadcast %broadcast_in_dim3A_889 : vector<8x1xf32> to vector<8x1024xf32>
    %add3A_891 = arith.addf %sub3A_888, %add3A_890 : vector<8x1024xf32>
    %lt3A_892 = arith.cmpf olt, %add3A_891, %select_n3A_880 : vector<8x1024xf32>
    %select_n3A_893 = arith.select %lt3A_892, %add3A_891, %select_n3A_880 : vector<8x1024xi1>, vector<8x1024xf32>
    %add3A_894 = arith.constant 536 : i32
    %add3A_895 = vector.broadcast %add3A_894 : i32 to vector<8x1024xi32>
    %add3A_896 = arith.addi %iota3A, %add3A_895 : vector<8x1024xi32>
    %select_n3A_897 = arith.select %lt3A_892, %add3A_896, %select_n3A_884 : vector<8x1024xi1>, vector<8x1024xi32>
    %slice3A_898 = vector.extract_strided_slice %dot_general3A_10 {offsets = [544, 0], sizes = [8, 1024], strides = [1, 1]} : vector<1024x1024xf32> to vector<8x1024xf32>
    %slice3A_899 = vector.extract_strided_slice %reduce_sum3A_14 {offsets = [544], sizes = [8], strides = [1]} : vector<1024xf32> to vector<8xf32>
    %sub3A_900 = vector.broadcast %broadcast_in_dim3A : vector<1x1024xf32> to vector<8x1024xf32>
    %sub3A_901 = arith.subf %sub3A_900, %slice3A_898 : vector<8x1024xf32>
    %broadcast_in_dim3A_902 = vector.shape_cast %slice3A_899 : vector<8xf32> to vector<8x1xf32>
    %add3A_903 = vector.broadcast %broadcast_in_dim3A_902 : vector<8x1xf32> to vector<8x1024xf32>
    %add3A_904 = arith.addf %sub3A_901, %add3A_903 : vector<8x1024xf32>
    %lt3A_905 = arith.cmpf olt, %add3A_904, %select_n3A_893 : vector<8x1024xf32>
    %select_n3A_906 = arith.select %lt3A_905, %add3A_904, %select_n3A_893 : vector<8x1024xi1>, vector<8x1024xf32>
    %add3A_907 = arith.constant 544 : i32
    %add3A_908 = vector.broadcast %add3A_907 : i32 to vector<8x1024xi32>
    %add3A_909 = arith.addi %iota3A, %add3A_908 : vector<8x1024xi32>
    %select_n3A_910 = arith.select %lt3A_905, %add3A_909, %select_n3A_897 : vector<8x1024xi1>, vector<8x1024xi32>
    %slice3A_911 = vector.extract_strided_slice %dot_general3A_10 {offsets = [552, 0], sizes = [8, 1024], strides = [1, 1]} : vector<1024x1024xf32> to vector<8x1024xf32>
    %slice3A_912 = vector.extract_strided_slice %reduce_sum3A_14 {offsets = [552], sizes = [8], strides = [1]} : vector<1024xf32> to vector<8xf32>
    %sub3A_913 = vector.broadcast %broadcast_in_dim3A : vector<1x1024xf32> to vector<8x1024xf32>
    %sub3A_914 = arith.subf %sub3A_913, %slice3A_911 : vector<8x1024xf32>
    %broadcast_in_dim3A_915 = vector.shape_cast %slice3A_912 : vector<8xf32> to vector<8x1xf32>
    %add3A_916 = vector.broadcast %broadcast_in_dim3A_915 : vector<8x1xf32> to vector<8x1024xf32>
    %add3A_917 = arith.addf %sub3A_914, %add3A_916 : vector<8x1024xf32>
    %lt3A_918 = arith.cmpf olt, %add3A_917, %select_n3A_906 : vector<8x1024xf32>
    %select_n3A_919 = arith.select %lt3A_918, %add3A_917, %select_n3A_906 : vector<8x1024xi1>, vector<8x1024xf32>
    %add3A_920 = arith.constant 552 : i32
    %add3A_921 = vector.broadcast %add3A_920 : i32 to vector<8x1024xi32>
    %add3A_922 = arith.addi %iota3A, %add3A_921 : vector<8x1024xi32>
    %select_n3A_923 = arith.select %lt3A_918, %add3A_922, %select_n3A_910 : vector<8x1024xi1>, vector<8x1024xi32>
    %slice3A_924 = vector.extract_strided_slice %dot_general3A_10 {offsets = [560, 0], sizes = [8, 1024], strides = [1, 1]} : vector<1024x1024xf32> to vector<8x1024xf32>
    %slice3A_925 = vector.extract_strided_slice %reduce_sum3A_14 {offsets = [560], sizes = [8], strides = [1]} : vector<1024xf32> to vector<8xf32>
    %sub3A_926 = vector.broadcast %broadcast_in_dim3A : vector<1x1024xf32> to vector<8x1024xf32>
    %sub3A_927 = arith.subf %sub3A_926, %slice3A_924 : vector<8x1024xf32>
    %broadcast_in_dim3A_928 = vector.shape_cast %slice3A_925 : vector<8xf32> to vector<8x1xf32>
    %add3A_929 = vector.broadcast %broadcast_in_dim3A_928 : vector<8x1xf32> to vector<8x1024xf32>
    %add3A_930 = arith.addf %sub3A_927, %add3A_929 : vector<8x1024xf32>
    %lt3A_931 = arith.cmpf olt, %add3A_930, %select_n3A_919 : vector<8x1024xf32>
    %select_n3A_932 = arith.select %lt3A_931, %add3A_930, %select_n3A_919 : vector<8x1024xi1>, vector<8x1024xf32>
    %add3A_933 = arith.constant 560 : i32
    %add3A_934 = vector.broadcast %add3A_933 : i32 to vector<8x1024xi32>
    %add3A_935 = arith.addi %iota3A, %add3A_934 : vector<8x1024xi32>
    %select_n3A_936 = arith.select %lt3A_931, %add3A_935, %select_n3A_923 : vector<8x1024xi1>, vector<8x1024xi32>
    %slice3A_937 = vector.extract_strided_slice %dot_general3A_10 {offsets = [568, 0], sizes = [8, 1024], strides = [1, 1]} : vector<1024x1024xf32> to vector<8x1024xf32>
    %slice3A_938 = vector.extract_strided_slice %reduce_sum3A_14 {offsets = [568], sizes = [8], strides = [1]} : vector<1024xf32> to vector<8xf32>
    %sub3A_939 = vector.broadcast %broadcast_in_dim3A : vector<1x1024xf32> to vector<8x1024xf32>
    %sub3A_940 = arith.subf %sub3A_939, %slice3A_937 : vector<8x1024xf32>
    %broadcast_in_dim3A_941 = vector.shape_cast %slice3A_938 : vector<8xf32> to vector<8x1xf32>
    %add3A_942 = vector.broadcast %broadcast_in_dim3A_941 : vector<8x1xf32> to vector<8x1024xf32>
    %add3A_943 = arith.addf %sub3A_940, %add3A_942 : vector<8x1024xf32>
    %lt3A_944 = arith.cmpf olt, %add3A_943, %select_n3A_932 : vector<8x1024xf32>
    %select_n3A_945 = arith.select %lt3A_944, %add3A_943, %select_n3A_932 : vector<8x1024xi1>, vector<8x1024xf32>
    %add3A_946 = arith.constant 568 : i32
    %add3A_947 = vector.broadcast %add3A_946 : i32 to vector<8x1024xi32>
    %add3A_948 = arith.addi %iota3A, %add3A_947 : vector<8x1024xi32>
    %select_n3A_949 = arith.select %lt3A_944, %add3A_948, %select_n3A_936 : vector<8x1024xi1>, vector<8x1024xi32>
    %slice3A_950 = vector.extract_strided_slice %dot_general3A_10 {offsets = [576, 0], sizes = [8, 1024], strides = [1, 1]} : vector<1024x1024xf32> to vector<8x1024xf32>
    %slice3A_951 = vector.extract_strided_slice %reduce_sum3A_14 {offsets = [576], sizes = [8], strides = [1]} : vector<1024xf32> to vector<8xf32>
    %sub3A_952 = vector.broadcast %broadcast_in_dim3A : vector<1x1024xf32> to vector<8x1024xf32>
    %sub3A_953 = arith.subf %sub3A_952, %slice3A_950 : vector<8x1024xf32>
    %broadcast_in_dim3A_954 = vector.shape_cast %slice3A_951 : vector<8xf32> to vector<8x1xf32>
    %add3A_955 = vector.broadcast %broadcast_in_dim3A_954 : vector<8x1xf32> to vector<8x1024xf32>
    %add3A_956 = arith.addf %sub3A_953, %add3A_955 : vector<8x1024xf32>
    %lt3A_957 = arith.cmpf olt, %add3A_956, %select_n3A_945 : vector<8x1024xf32>
    %select_n3A_958 = arith.select %lt3A_957, %add3A_956, %select_n3A_945 : vector<8x1024xi1>, vector<8x1024xf32>
    %add3A_959 = arith.constant 576 : i32
    %add3A_960 = vector.broadcast %add3A_959 : i32 to vector<8x1024xi32>
    %add3A_961 = arith.addi %iota3A, %add3A_960 : vector<8x1024xi32>
    %select_n3A_962 = arith.select %lt3A_957, %add3A_961, %select_n3A_949 : vector<8x1024xi1>, vector<8x1024xi32>
    %slice3A_963 = vector.extract_strided_slice %dot_general3A_10 {offsets = [584, 0], sizes = [8, 1024], strides = [1, 1]} : vector<1024x1024xf32> to vector<8x1024xf32>
    %slice3A_964 = vector.extract_strided_slice %reduce_sum3A_14 {offsets = [584], sizes = [8], strides = [1]} : vector<1024xf32> to vector<8xf32>
    %sub3A_965 = vector.broadcast %broadcast_in_dim3A : vector<1x1024xf32> to vector<8x1024xf32>
    %sub3A_966 = arith.subf %sub3A_965, %slice3A_963 : vector<8x1024xf32>
    %broadcast_in_dim3A_967 = vector.shape_cast %slice3A_964 : vector<8xf32> to vector<8x1xf32>
    %add3A_968 = vector.broadcast %broadcast_in_dim3A_967 : vector<8x1xf32> to vector<8x1024xf32>
    %add3A_969 = arith.addf %sub3A_966, %add3A_968 : vector<8x1024xf32>
    %lt3A_970 = arith.cmpf olt, %add3A_969, %select_n3A_958 : vector<8x1024xf32>
    %select_n3A_971 = arith.select %lt3A_970, %add3A_969, %select_n3A_958 : vector<8x1024xi1>, vector<8x1024xf32>
    %add3A_972 = arith.constant 584 : i32
    %add3A_973 = vector.broadcast %add3A_972 : i32 to vector<8x1024xi32>
    %add3A_974 = arith.addi %iota3A, %add3A_973 : vector<8x1024xi32>
    %select_n3A_975 = arith.select %lt3A_970, %add3A_974, %select_n3A_962 : vector<8x1024xi1>, vector<8x1024xi32>
    %slice3A_976 = vector.extract_strided_slice %dot_general3A_10 {offsets = [592, 0], sizes = [8, 1024], strides = [1, 1]} : vector<1024x1024xf32> to vector<8x1024xf32>
    %slice3A_977 = vector.extract_strided_slice %reduce_sum3A_14 {offsets = [592], sizes = [8], strides = [1]} : vector<1024xf32> to vector<8xf32>
    %sub3A_978 = vector.broadcast %broadcast_in_dim3A : vector<1x1024xf32> to vector<8x1024xf32>
    %sub3A_979 = arith.subf %sub3A_978, %slice3A_976 : vector<8x1024xf32>
    %broadcast_in_dim3A_980 = vector.shape_cast %slice3A_977 : vector<8xf32> to vector<8x1xf32>
    %add3A_981 = vector.broadcast %broadcast_in_dim3A_980 : vector<8x1xf32> to vector<8x1024xf32>
    %add3A_982 = arith.addf %sub3A_979, %add3A_981 : vector<8x1024xf32>
    %lt3A_983 = arith.cmpf olt, %add3A_982, %select_n3A_971 : vector<8x1024xf32>
    %select_n3A_984 = arith.select %lt3A_983, %add3A_982, %select_n3A_971 : vector<8x1024xi1>, vector<8x1024xf32>
    %add3A_985 = arith.constant 592 : i32
    %add3A_986 = vector.broadcast %add3A_985 : i32 to vector<8x1024xi32>
    %add3A_987 = arith.addi %iota3A, %add3A_986 : vector<8x1024xi32>
    %select_n3A_988 = arith.select %lt3A_983, %add3A_987, %select_n3A_975 : vector<8x1024xi1>, vector<8x1024xi32>
    %slice3A_989 = vector.extract_strided_slice %dot_general3A_10 {offsets = [600, 0], sizes = [8, 1024], strides = [1, 1]} : vector<1024x1024xf32> to vector<8x1024xf32>
    %slice3A_990 = vector.extract_strided_slice %reduce_sum3A_14 {offsets = [600], sizes = [8], strides = [1]} : vector<1024xf32> to vector<8xf32>
    %sub3A_991 = vector.broadcast %broadcast_in_dim3A : vector<1x1024xf32> to vector<8x1024xf32>
    %sub3A_992 = arith.subf %sub3A_991, %slice3A_989 : vector<8x1024xf32>
    %broadcast_in_dim3A_993 = vector.shape_cast %slice3A_990 : vector<8xf32> to vector<8x1xf32>
    %add3A_994 = vector.broadcast %broadcast_in_dim3A_993 : vector<8x1xf32> to vector<8x1024xf32>
    %add3A_995 = arith.addf %sub3A_992, %add3A_994 : vector<8x1024xf32>
    %lt3A_996 = arith.cmpf olt, %add3A_995, %select_n3A_984 : vector<8x1024xf32>
    %select_n3A_997 = arith.select %lt3A_996, %add3A_995, %select_n3A_984 : vector<8x1024xi1>, vector<8x1024xf32>
    %add3A_998 = arith.constant 600 : i32
    %add3A_999 = vector.broadcast %add3A_998 : i32 to vector<8x1024xi32>
    %add3A_1000 = arith.addi %iota3A, %add3A_999 : vector<8x1024xi32>
    %select_n3A_1001 = arith.select %lt3A_996, %add3A_1000, %select_n3A_988 : vector<8x1024xi1>, vector<8x1024xi32>
    %slice3A_1002 = vector.extract_strided_slice %dot_general3A_10 {offsets = [608, 0], sizes = [8, 1024], strides = [1, 1]} : vector<1024x1024xf32> to vector<8x1024xf32>
    %slice3A_1003 = vector.extract_strided_slice %reduce_sum3A_14 {offsets = [608], sizes = [8], strides = [1]} : vector<1024xf32> to vector<8xf32>
    %sub3A_1004 = vector.broadcast %broadcast_in_dim3A : vector<1x1024xf32> to vector<8x1024xf32>
    %sub3A_1005 = arith.subf %sub3A_1004, %slice3A_1002 : vector<8x1024xf32>
    %broadcast_in_dim3A_1006 = vector.shape_cast %slice3A_1003 : vector<8xf32> to vector<8x1xf32>
    %add3A_1007 = vector.broadcast %broadcast_in_dim3A_1006 : vector<8x1xf32> to vector<8x1024xf32>
    %add3A_1008 = arith.addf %sub3A_1005, %add3A_1007 : vector<8x1024xf32>
    %lt3A_1009 = arith.cmpf olt, %add3A_1008, %select_n3A_997 : vector<8x1024xf32>
    %select_n3A_1010 = arith.select %lt3A_1009, %add3A_1008, %select_n3A_997 : vector<8x1024xi1>, vector<8x1024xf32>
    %add3A_1011 = arith.constant 608 : i32
    %add3A_1012 = vector.broadcast %add3A_1011 : i32 to vector<8x1024xi32>
    %add3A_1013 = arith.addi %iota3A, %add3A_1012 : vector<8x1024xi32>
    %select_n3A_1014 = arith.select %lt3A_1009, %add3A_1013, %select_n3A_1001 : vector<8x1024xi1>, vector<8x1024xi32>
    %slice3A_1015 = vector.extract_strided_slice %dot_general3A_10 {offsets = [616, 0], sizes = [8, 1024], strides = [1, 1]} : vector<1024x1024xf32> to vector<8x1024xf32>
    %slice3A_1016 = vector.extract_strided_slice %reduce_sum3A_14 {offsets = [616], sizes = [8], strides = [1]} : vector<1024xf32> to vector<8xf32>
    %sub3A_1017 = vector.broadcast %broadcast_in_dim3A : vector<1x1024xf32> to vector<8x1024xf32>
    %sub3A_1018 = arith.subf %sub3A_1017, %slice3A_1015 : vector<8x1024xf32>
    %broadcast_in_dim3A_1019 = vector.shape_cast %slice3A_1016 : vector<8xf32> to vector<8x1xf32>
    %add3A_1020 = vector.broadcast %broadcast_in_dim3A_1019 : vector<8x1xf32> to vector<8x1024xf32>
    %add3A_1021 = arith.addf %sub3A_1018, %add3A_1020 : vector<8x1024xf32>
    %lt3A_1022 = arith.cmpf olt, %add3A_1021, %select_n3A_1010 : vector<8x1024xf32>
    %select_n3A_1023 = arith.select %lt3A_1022, %add3A_1021, %select_n3A_1010 : vector<8x1024xi1>, vector<8x1024xf32>
    %add3A_1024 = arith.constant 616 : i32
    %add3A_1025 = vector.broadcast %add3A_1024 : i32 to vector<8x1024xi32>
    %add3A_1026 = arith.addi %iota3A, %add3A_1025 : vector<8x1024xi32>
    %select_n3A_1027 = arith.select %lt3A_1022, %add3A_1026, %select_n3A_1014 : vector<8x1024xi1>, vector<8x1024xi32>
    %slice3A_1028 = vector.extract_strided_slice %dot_general3A_10 {offsets = [624, 0], sizes = [8, 1024], strides = [1, 1]} : vector<1024x1024xf32> to vector<8x1024xf32>
    %slice3A_1029 = vector.extract_strided_slice %reduce_sum3A_14 {offsets = [624], sizes = [8], strides = [1]} : vector<1024xf32> to vector<8xf32>
    %sub3A_1030 = vector.broadcast %broadcast_in_dim3A : vector<1x1024xf32> to vector<8x1024xf32>
    %sub3A_1031 = arith.subf %sub3A_1030, %slice3A_1028 : vector<8x1024xf32>
    %broadcast_in_dim3A_1032 = vector.shape_cast %slice3A_1029 : vector<8xf32> to vector<8x1xf32>
    %add3A_1033 = vector.broadcast %broadcast_in_dim3A_1032 : vector<8x1xf32> to vector<8x1024xf32>
    %add3A_1034 = arith.addf %sub3A_1031, %add3A_1033 : vector<8x1024xf32>
    %lt3A_1035 = arith.cmpf olt, %add3A_1034, %select_n3A_1023 : vector<8x1024xf32>
    %select_n3A_1036 = arith.select %lt3A_1035, %add3A_1034, %select_n3A_1023 : vector<8x1024xi1>, vector<8x1024xf32>
    %add3A_1037 = arith.constant 624 : i32
    %add3A_1038 = vector.broadcast %add3A_1037 : i32 to vector<8x1024xi32>
    %add3A_1039 = arith.addi %iota3A, %add3A_1038 : vector<8x1024xi32>
    %select_n3A_1040 = arith.select %lt3A_1035, %add3A_1039, %select_n3A_1027 : vector<8x1024xi1>, vector<8x1024xi32>
    %slice3A_1041 = vector.extract_strided_slice %dot_general3A_10 {offsets = [632, 0], sizes = [8, 1024], strides = [1, 1]} : vector<1024x1024xf32> to vector<8x1024xf32>
    %slice3A_1042 = vector.extract_strided_slice %reduce_sum3A_14 {offsets = [632], sizes = [8], strides = [1]} : vector<1024xf32> to vector<8xf32>
    %sub3A_1043 = vector.broadcast %broadcast_in_dim3A : vector<1x1024xf32> to vector<8x1024xf32>
    %sub3A_1044 = arith.subf %sub3A_1043, %slice3A_1041 : vector<8x1024xf32>
    %broadcast_in_dim3A_1045 = vector.shape_cast %slice3A_1042 : vector<8xf32> to vector<8x1xf32>
    %add3A_1046 = vector.broadcast %broadcast_in_dim3A_1045 : vector<8x1xf32> to vector<8x1024xf32>
    %add3A_1047 = arith.addf %sub3A_1044, %add3A_1046 : vector<8x1024xf32>
    %lt3A_1048 = arith.cmpf olt, %add3A_1047, %select_n3A_1036 : vector<8x1024xf32>
    %select_n3A_1049 = arith.select %lt3A_1048, %add3A_1047, %select_n3A_1036 : vector<8x1024xi1>, vector<8x1024xf32>
    %add3A_1050 = arith.constant 632 : i32
    %add3A_1051 = vector.broadcast %add3A_1050 : i32 to vector<8x1024xi32>
    %add3A_1052 = arith.addi %iota3A, %add3A_1051 : vector<8x1024xi32>
    %select_n3A_1053 = arith.select %lt3A_1048, %add3A_1052, %select_n3A_1040 : vector<8x1024xi1>, vector<8x1024xi32>
    %slice3A_1054 = vector.extract_strided_slice %dot_general3A_10 {offsets = [640, 0], sizes = [8, 1024], strides = [1, 1]} : vector<1024x1024xf32> to vector<8x1024xf32>
    %slice3A_1055 = vector.extract_strided_slice %reduce_sum3A_14 {offsets = [640], sizes = [8], strides = [1]} : vector<1024xf32> to vector<8xf32>
    %sub3A_1056 = vector.broadcast %broadcast_in_dim3A : vector<1x1024xf32> to vector<8x1024xf32>
    %sub3A_1057 = arith.subf %sub3A_1056, %slice3A_1054 : vector<8x1024xf32>
    %broadcast_in_dim3A_1058 = vector.shape_cast %slice3A_1055 : vector<8xf32> to vector<8x1xf32>
    %add3A_1059 = vector.broadcast %broadcast_in_dim3A_1058 : vector<8x1xf32> to vector<8x1024xf32>
    %add3A_1060 = arith.addf %sub3A_1057, %add3A_1059 : vector<8x1024xf32>
    %lt3A_1061 = arith.cmpf olt, %add3A_1060, %select_n3A_1049 : vector<8x1024xf32>
    %select_n3A_1062 = arith.select %lt3A_1061, %add3A_1060, %select_n3A_1049 : vector<8x1024xi1>, vector<8x1024xf32>
    %add3A_1063 = arith.constant 640 : i32
    %add3A_1064 = vector.broadcast %add3A_1063 : i32 to vector<8x1024xi32>
    %add3A_1065 = arith.addi %iota3A, %add3A_1064 : vector<8x1024xi32>
    %select_n3A_1066 = arith.select %lt3A_1061, %add3A_1065, %select_n3A_1053 : vector<8x1024xi1>, vector<8x1024xi32>
    %slice3A_1067 = vector.extract_strided_slice %dot_general3A_10 {offsets = [648, 0], sizes = [8, 1024], strides = [1, 1]} : vector<1024x1024xf32> to vector<8x1024xf32>
    %slice3A_1068 = vector.extract_strided_slice %reduce_sum3A_14 {offsets = [648], sizes = [8], strides = [1]} : vector<1024xf32> to vector<8xf32>
    %sub3A_1069 = vector.broadcast %broadcast_in_dim3A : vector<1x1024xf32> to vector<8x1024xf32>
    %sub3A_1070 = arith.subf %sub3A_1069, %slice3A_1067 : vector<8x1024xf32>
    %broadcast_in_dim3A_1071 = vector.shape_cast %slice3A_1068 : vector<8xf32> to vector<8x1xf32>
    %add3A_1072 = vector.broadcast %broadcast_in_dim3A_1071 : vector<8x1xf32> to vector<8x1024xf32>
    %add3A_1073 = arith.addf %sub3A_1070, %add3A_1072 : vector<8x1024xf32>
    %lt3A_1074 = arith.cmpf olt, %add3A_1073, %select_n3A_1062 : vector<8x1024xf32>
    %select_n3A_1075 = arith.select %lt3A_1074, %add3A_1073, %select_n3A_1062 : vector<8x1024xi1>, vector<8x1024xf32>
    %add3A_1076 = arith.constant 648 : i32
    %add3A_1077 = vector.broadcast %add3A_1076 : i32 to vector<8x1024xi32>
    %add3A_1078 = arith.addi %iota3A, %add3A_1077 : vector<8x1024xi32>
    %select_n3A_1079 = arith.select %lt3A_1074, %add3A_1078, %select_n3A_1066 : vector<8x1024xi1>, vector<8x1024xi32>
    %slice3A_1080 = vector.extract_strided_slice %dot_general3A_10 {offsets = [656, 0], sizes = [8, 1024], strides = [1, 1]} : vector<1024x1024xf32> to vector<8x1024xf32>
    %slice3A_1081 = vector.extract_strided_slice %reduce_sum3A_14 {offsets = [656], sizes = [8], strides = [1]} : vector<1024xf32> to vector<8xf32>
    %sub3A_1082 = vector.broadcast %broadcast_in_dim3A : vector<1x1024xf32> to vector<8x1024xf32>
    %sub3A_1083 = arith.subf %sub3A_1082, %slice3A_1080 : vector<8x1024xf32>
    %broadcast_in_dim3A_1084 = vector.shape_cast %slice3A_1081 : vector<8xf32> to vector<8x1xf32>
    %add3A_1085 = vector.broadcast %broadcast_in_dim3A_1084 : vector<8x1xf32> to vector<8x1024xf32>
    %add3A_1086 = arith.addf %sub3A_1083, %add3A_1085 : vector<8x1024xf32>
    %lt3A_1087 = arith.cmpf olt, %add3A_1086, %select_n3A_1075 : vector<8x1024xf32>
    %select_n3A_1088 = arith.select %lt3A_1087, %add3A_1086, %select_n3A_1075 : vector<8x1024xi1>, vector<8x1024xf32>
    %add3A_1089 = arith.constant 656 : i32
    %add3A_1090 = vector.broadcast %add3A_1089 : i32 to vector<8x1024xi32>
    %add3A_1091 = arith.addi %iota3A, %add3A_1090 : vector<8x1024xi32>
    %select_n3A_1092 = arith.select %lt3A_1087, %add3A_1091, %select_n3A_1079 : vector<8x1024xi1>, vector<8x1024xi32>
    %slice3A_1093 = vector.extract_strided_slice %dot_general3A_10 {offsets = [664, 0], sizes = [8, 1024], strides = [1, 1]} : vector<1024x1024xf32> to vector<8x1024xf32>
    %slice3A_1094 = vector.extract_strided_slice %reduce_sum3A_14 {offsets = [664], sizes = [8], strides = [1]} : vector<1024xf32> to vector<8xf32>
    %sub3A_1095 = vector.broadcast %broadcast_in_dim3A : vector<1x1024xf32> to vector<8x1024xf32>
    %sub3A_1096 = arith.subf %sub3A_1095, %slice3A_1093 : vector<8x1024xf32>
    %broadcast_in_dim3A_1097 = vector.shape_cast %slice3A_1094 : vector<8xf32> to vector<8x1xf32>
    %add3A_1098 = vector.broadcast %broadcast_in_dim3A_1097 : vector<8x1xf32> to vector<8x1024xf32>
    %add3A_1099 = arith.addf %sub3A_1096, %add3A_1098 : vector<8x1024xf32>
    %lt3A_1100 = arith.cmpf olt, %add3A_1099, %select_n3A_1088 : vector<8x1024xf32>
    %select_n3A_1101 = arith.select %lt3A_1100, %add3A_1099, %select_n3A_1088 : vector<8x1024xi1>, vector<8x1024xf32>
    %add3A_1102 = arith.constant 664 : i32
    %add3A_1103 = vector.broadcast %add3A_1102 : i32 to vector<8x1024xi32>
    %add3A_1104 = arith.addi %iota3A, %add3A_1103 : vector<8x1024xi32>
    %select_n3A_1105 = arith.select %lt3A_1100, %add3A_1104, %select_n3A_1092 : vector<8x1024xi1>, vector<8x1024xi32>
    %slice3A_1106 = vector.extract_strided_slice %dot_general3A_10 {offsets = [672, 0], sizes = [8, 1024], strides = [1, 1]} : vector<1024x1024xf32> to vector<8x1024xf32>
    %slice3A_1107 = vector.extract_strided_slice %reduce_sum3A_14 {offsets = [672], sizes = [8], strides = [1]} : vector<1024xf32> to vector<8xf32>
    %sub3A_1108 = vector.broadcast %broadcast_in_dim3A : vector<1x1024xf32> to vector<8x1024xf32>
    %sub3A_1109 = arith.subf %sub3A_1108, %slice3A_1106 : vector<8x1024xf32>
    %broadcast_in_dim3A_1110 = vector.shape_cast %slice3A_1107 : vector<8xf32> to vector<8x1xf32>
    %add3A_1111 = vector.broadcast %broadcast_in_dim3A_1110 : vector<8x1xf32> to vector<8x1024xf32>
    %add3A_1112 = arith.addf %sub3A_1109, %add3A_1111 : vector<8x1024xf32>
    %lt3A_1113 = arith.cmpf olt, %add3A_1112, %select_n3A_1101 : vector<8x1024xf32>
    %select_n3A_1114 = arith.select %lt3A_1113, %add3A_1112, %select_n3A_1101 : vector<8x1024xi1>, vector<8x1024xf32>
    %add3A_1115 = arith.constant 672 : i32
    %add3A_1116 = vector.broadcast %add3A_1115 : i32 to vector<8x1024xi32>
    %add3A_1117 = arith.addi %iota3A, %add3A_1116 : vector<8x1024xi32>
    %select_n3A_1118 = arith.select %lt3A_1113, %add3A_1117, %select_n3A_1105 : vector<8x1024xi1>, vector<8x1024xi32>
    %slice3A_1119 = vector.extract_strided_slice %dot_general3A_10 {offsets = [680, 0], sizes = [8, 1024], strides = [1, 1]} : vector<1024x1024xf32> to vector<8x1024xf32>
    %slice3A_1120 = vector.extract_strided_slice %reduce_sum3A_14 {offsets = [680], sizes = [8], strides = [1]} : vector<1024xf32> to vector<8xf32>
    %sub3A_1121 = vector.broadcast %broadcast_in_dim3A : vector<1x1024xf32> to vector<8x1024xf32>
    %sub3A_1122 = arith.subf %sub3A_1121, %slice3A_1119 : vector<8x1024xf32>
    %broadcast_in_dim3A_1123 = vector.shape_cast %slice3A_1120 : vector<8xf32> to vector<8x1xf32>
    %add3A_1124 = vector.broadcast %broadcast_in_dim3A_1123 : vector<8x1xf32> to vector<8x1024xf32>
    %add3A_1125 = arith.addf %sub3A_1122, %add3A_1124 : vector<8x1024xf32>
    %lt3A_1126 = arith.cmpf olt, %add3A_1125, %select_n3A_1114 : vector<8x1024xf32>
    %select_n3A_1127 = arith.select %lt3A_1126, %add3A_1125, %select_n3A_1114 : vector<8x1024xi1>, vector<8x1024xf32>
    %add3A_1128 = arith.constant 680 : i32
    %add3A_1129 = vector.broadcast %add3A_1128 : i32 to vector<8x1024xi32>
    %add3A_1130 = arith.addi %iota3A, %add3A_1129 : vector<8x1024xi32>
    %select_n3A_1131 = arith.select %lt3A_1126, %add3A_1130, %select_n3A_1118 : vector<8x1024xi1>, vector<8x1024xi32>
    %slice3A_1132 = vector.extract_strided_slice %dot_general3A_10 {offsets = [688, 0], sizes = [8, 1024], strides = [1, 1]} : vector<1024x1024xf32> to vector<8x1024xf32>
    %slice3A_1133 = vector.extract_strided_slice %reduce_sum3A_14 {offsets = [688], sizes = [8], strides = [1]} : vector<1024xf32> to vector<8xf32>
    %sub3A_1134 = vector.broadcast %broadcast_in_dim3A : vector<1x1024xf32> to vector<8x1024xf32>
    %sub3A_1135 = arith.subf %sub3A_1134, %slice3A_1132 : vector<8x1024xf32>
    %broadcast_in_dim3A_1136 = vector.shape_cast %slice3A_1133 : vector<8xf32> to vector<8x1xf32>
    %add3A_1137 = vector.broadcast %broadcast_in_dim3A_1136 : vector<8x1xf32> to vector<8x1024xf32>
    %add3A_1138 = arith.addf %sub3A_1135, %add3A_1137 : vector<8x1024xf32>
    %lt3A_1139 = arith.cmpf olt, %add3A_1138, %select_n3A_1127 : vector<8x1024xf32>
    %select_n3A_1140 = arith.select %lt3A_1139, %add3A_1138, %select_n3A_1127 : vector<8x1024xi1>, vector<8x1024xf32>
    %add3A_1141 = arith.constant 688 : i32
    %add3A_1142 = vector.broadcast %add3A_1141 : i32 to vector<8x1024xi32>
    %add3A_1143 = arith.addi %iota3A, %add3A_1142 : vector<8x1024xi32>
    %select_n3A_1144 = arith.select %lt3A_1139, %add3A_1143, %select_n3A_1131 : vector<8x1024xi1>, vector<8x1024xi32>
    %slice3A_1145 = vector.extract_strided_slice %dot_general3A_10 {offsets = [696, 0], sizes = [8, 1024], strides = [1, 1]} : vector<1024x1024xf32> to vector<8x1024xf32>
    %slice3A_1146 = vector.extract_strided_slice %reduce_sum3A_14 {offsets = [696], sizes = [8], strides = [1]} : vector<1024xf32> to vector<8xf32>
    %sub3A_1147 = vector.broadcast %broadcast_in_dim3A : vector<1x1024xf32> to vector<8x1024xf32>
    %sub3A_1148 = arith.subf %sub3A_1147, %slice3A_1145 : vector<8x1024xf32>
    %broadcast_in_dim3A_1149 = vector.shape_cast %slice3A_1146 : vector<8xf32> to vector<8x1xf32>
    %add3A_1150 = vector.broadcast %broadcast_in_dim3A_1149 : vector<8x1xf32> to vector<8x1024xf32>
    %add3A_1151 = arith.addf %sub3A_1148, %add3A_1150 : vector<8x1024xf32>
    %lt3A_1152 = arith.cmpf olt, %add3A_1151, %select_n3A_1140 : vector<8x1024xf32>
    %select_n3A_1153 = arith.select %lt3A_1152, %add3A_1151, %select_n3A_1140 : vector<8x1024xi1>, vector<8x1024xf32>
    %add3A_1154 = arith.constant 696 : i32
    %add3A_1155 = vector.broadcast %add3A_1154 : i32 to vector<8x1024xi32>
    %add3A_1156 = arith.addi %iota3A, %add3A_1155 : vector<8x1024xi32>
    %select_n3A_1157 = arith.select %lt3A_1152, %add3A_1156, %select_n3A_1144 : vector<8x1024xi1>, vector<8x1024xi32>
    %slice3A_1158 = vector.extract_strided_slice %dot_general3A_10 {offsets = [704, 0], sizes = [8, 1024], strides = [1, 1]} : vector<1024x1024xf32> to vector<8x1024xf32>
    %slice3A_1159 = vector.extract_strided_slice %reduce_sum3A_14 {offsets = [704], sizes = [8], strides = [1]} : vector<1024xf32> to vector<8xf32>
    %sub3A_1160 = vector.broadcast %broadcast_in_dim3A : vector<1x1024xf32> to vector<8x1024xf32>
    %sub3A_1161 = arith.subf %sub3A_1160, %slice3A_1158 : vector<8x1024xf32>
    %broadcast_in_dim3A_1162 = vector.shape_cast %slice3A_1159 : vector<8xf32> to vector<8x1xf32>
    %add3A_1163 = vector.broadcast %broadcast_in_dim3A_1162 : vector<8x1xf32> to vector<8x1024xf32>
    %add3A_1164 = arith.addf %sub3A_1161, %add3A_1163 : vector<8x1024xf32>
    %lt3A_1165 = arith.cmpf olt, %add3A_1164, %select_n3A_1153 : vector<8x1024xf32>
    %select_n3A_1166 = arith.select %lt3A_1165, %add3A_1164, %select_n3A_1153 : vector<8x1024xi1>, vector<8x1024xf32>
    %add3A_1167 = arith.constant 704 : i32
    %add3A_1168 = vector.broadcast %add3A_1167 : i32 to vector<8x1024xi32>
    %add3A_1169 = arith.addi %iota3A, %add3A_1168 : vector<8x1024xi32>
    %select_n3A_1170 = arith.select %lt3A_1165, %add3A_1169, %select_n3A_1157 : vector<8x1024xi1>, vector<8x1024xi32>
    %slice3A_1171 = vector.extract_strided_slice %dot_general3A_10 {offsets = [712, 0], sizes = [8, 1024], strides = [1, 1]} : vector<1024x1024xf32> to vector<8x1024xf32>
    %slice3A_1172 = vector.extract_strided_slice %reduce_sum3A_14 {offsets = [712], sizes = [8], strides = [1]} : vector<1024xf32> to vector<8xf32>
    %sub3A_1173 = vector.broadcast %broadcast_in_dim3A : vector<1x1024xf32> to vector<8x1024xf32>
    %sub3A_1174 = arith.subf %sub3A_1173, %slice3A_1171 : vector<8x1024xf32>
    %broadcast_in_dim3A_1175 = vector.shape_cast %slice3A_1172 : vector<8xf32> to vector<8x1xf32>
    %add3A_1176 = vector.broadcast %broadcast_in_dim3A_1175 : vector<8x1xf32> to vector<8x1024xf32>
    %add3A_1177 = arith.addf %sub3A_1174, %add3A_1176 : vector<8x1024xf32>
    %lt3A_1178 = arith.cmpf olt, %add3A_1177, %select_n3A_1166 : vector<8x1024xf32>
    %select_n3A_1179 = arith.select %lt3A_1178, %add3A_1177, %select_n3A_1166 : vector<8x1024xi1>, vector<8x1024xf32>
    %add3A_1180 = arith.constant 712 : i32
    %add3A_1181 = vector.broadcast %add3A_1180 : i32 to vector<8x1024xi32>
    %add3A_1182 = arith.addi %iota3A, %add3A_1181 : vector<8x1024xi32>
    %select_n3A_1183 = arith.select %lt3A_1178, %add3A_1182, %select_n3A_1170 : vector<8x1024xi1>, vector<8x1024xi32>
    %slice3A_1184 = vector.extract_strided_slice %dot_general3A_10 {offsets = [720, 0], sizes = [8, 1024], strides = [1, 1]} : vector<1024x1024xf32> to vector<8x1024xf32>
    %slice3A_1185 = vector.extract_strided_slice %reduce_sum3A_14 {offsets = [720], sizes = [8], strides = [1]} : vector<1024xf32> to vector<8xf32>
    %sub3A_1186 = vector.broadcast %broadcast_in_dim3A : vector<1x1024xf32> to vector<8x1024xf32>
    %sub3A_1187 = arith.subf %sub3A_1186, %slice3A_1184 : vector<8x1024xf32>
    %broadcast_in_dim3A_1188 = vector.shape_cast %slice3A_1185 : vector<8xf32> to vector<8x1xf32>
    %add3A_1189 = vector.broadcast %broadcast_in_dim3A_1188 : vector<8x1xf32> to vector<8x1024xf32>
    %add3A_1190 = arith.addf %sub3A_1187, %add3A_1189 : vector<8x1024xf32>
    %lt3A_1191 = arith.cmpf olt, %add3A_1190, %select_n3A_1179 : vector<8x1024xf32>
    %select_n3A_1192 = arith.select %lt3A_1191, %add3A_1190, %select_n3A_1179 : vector<8x1024xi1>, vector<8x1024xf32>
    %add3A_1193 = arith.constant 720 : i32
    %add3A_1194 = vector.broadcast %add3A_1193 : i32 to vector<8x1024xi32>
    %add3A_1195 = arith.addi %iota3A, %add3A_1194 : vector<8x1024xi32>
    %select_n3A_1196 = arith.select %lt3A_1191, %add3A_1195, %select_n3A_1183 : vector<8x1024xi1>, vector<8x1024xi32>
    %slice3A_1197 = vector.extract_strided_slice %dot_general3A_10 {offsets = [728, 0], sizes = [8, 1024], strides = [1, 1]} : vector<1024x1024xf32> to vector<8x1024xf32>
    %slice3A_1198 = vector.extract_strided_slice %reduce_sum3A_14 {offsets = [728], sizes = [8], strides = [1]} : vector<1024xf32> to vector<8xf32>
    %sub3A_1199 = vector.broadcast %broadcast_in_dim3A : vector<1x1024xf32> to vector<8x1024xf32>
    %sub3A_1200 = arith.subf %sub3A_1199, %slice3A_1197 : vector<8x1024xf32>
    %broadcast_in_dim3A_1201 = vector.shape_cast %slice3A_1198 : vector<8xf32> to vector<8x1xf32>
    %add3A_1202 = vector.broadcast %broadcast_in_dim3A_1201 : vector<8x1xf32> to vector<8x1024xf32>
    %add3A_1203 = arith.addf %sub3A_1200, %add3A_1202 : vector<8x1024xf32>
    %lt3A_1204 = arith.cmpf olt, %add3A_1203, %select_n3A_1192 : vector<8x1024xf32>
    %select_n3A_1205 = arith.select %lt3A_1204, %add3A_1203, %select_n3A_1192 : vector<8x1024xi1>, vector<8x1024xf32>
    %add3A_1206 = arith.constant 728 : i32
    %add3A_1207 = vector.broadcast %add3A_1206 : i32 to vector<8x1024xi32>
    %add3A_1208 = arith.addi %iota3A, %add3A_1207 : vector<8x1024xi32>
    %select_n3A_1209 = arith.select %lt3A_1204, %add3A_1208, %select_n3A_1196 : vector<8x1024xi1>, vector<8x1024xi32>
    %slice3A_1210 = vector.extract_strided_slice %dot_general3A_10 {offsets = [736, 0], sizes = [8, 1024], strides = [1, 1]} : vector<1024x1024xf32> to vector<8x1024xf32>
    %slice3A_1211 = vector.extract_strided_slice %reduce_sum3A_14 {offsets = [736], sizes = [8], strides = [1]} : vector<1024xf32> to vector<8xf32>
    %sub3A_1212 = vector.broadcast %broadcast_in_dim3A : vector<1x1024xf32> to vector<8x1024xf32>
    %sub3A_1213 = arith.subf %sub3A_1212, %slice3A_1210 : vector<8x1024xf32>
    %broadcast_in_dim3A_1214 = vector.shape_cast %slice3A_1211 : vector<8xf32> to vector<8x1xf32>
    %add3A_1215 = vector.broadcast %broadcast_in_dim3A_1214 : vector<8x1xf32> to vector<8x1024xf32>
    %add3A_1216 = arith.addf %sub3A_1213, %add3A_1215 : vector<8x1024xf32>
    %lt3A_1217 = arith.cmpf olt, %add3A_1216, %select_n3A_1205 : vector<8x1024xf32>
    %select_n3A_1218 = arith.select %lt3A_1217, %add3A_1216, %select_n3A_1205 : vector<8x1024xi1>, vector<8x1024xf32>
    %add3A_1219 = arith.constant 736 : i32
    %add3A_1220 = vector.broadcast %add3A_1219 : i32 to vector<8x1024xi32>
    %add3A_1221 = arith.addi %iota3A, %add3A_1220 : vector<8x1024xi32>
    %select_n3A_1222 = arith.select %lt3A_1217, %add3A_1221, %select_n3A_1209 : vector<8x1024xi1>, vector<8x1024xi32>
    %slice3A_1223 = vector.extract_strided_slice %dot_general3A_10 {offsets = [744, 0], sizes = [8, 1024], strides = [1, 1]} : vector<1024x1024xf32> to vector<8x1024xf32>
    %slice3A_1224 = vector.extract_strided_slice %reduce_sum3A_14 {offsets = [744], sizes = [8], strides = [1]} : vector<1024xf32> to vector<8xf32>
    %sub3A_1225 = vector.broadcast %broadcast_in_dim3A : vector<1x1024xf32> to vector<8x1024xf32>
    %sub3A_1226 = arith.subf %sub3A_1225, %slice3A_1223 : vector<8x1024xf32>
    %broadcast_in_dim3A_1227 = vector.shape_cast %slice3A_1224 : vector<8xf32> to vector<8x1xf32>
    %add3A_1228 = vector.broadcast %broadcast_in_dim3A_1227 : vector<8x1xf32> to vector<8x1024xf32>
    %add3A_1229 = arith.addf %sub3A_1226, %add3A_1228 : vector<8x1024xf32>
    %lt3A_1230 = arith.cmpf olt, %add3A_1229, %select_n3A_1218 : vector<8x1024xf32>
    %select_n3A_1231 = arith.select %lt3A_1230, %add3A_1229, %select_n3A_1218 : vector<8x1024xi1>, vector<8x1024xf32>
    %add3A_1232 = arith.constant 744 : i32
    %add3A_1233 = vector.broadcast %add3A_1232 : i32 to vector<8x1024xi32>
    %add3A_1234 = arith.addi %iota3A, %add3A_1233 : vector<8x1024xi32>
    %select_n3A_1235 = arith.select %lt3A_1230, %add3A_1234, %select_n3A_1222 : vector<8x1024xi1>, vector<8x1024xi32>
    %slice3A_1236 = vector.extract_strided_slice %dot_general3A_10 {offsets = [752, 0], sizes = [8, 1024], strides = [1, 1]} : vector<1024x1024xf32> to vector<8x1024xf32>
    %slice3A_1237 = vector.extract_strided_slice %reduce_sum3A_14 {offsets = [752], sizes = [8], strides = [1]} : vector<1024xf32> to vector<8xf32>
    %sub3A_1238 = vector.broadcast %broadcast_in_dim3A : vector<1x1024xf32> to vector<8x1024xf32>
    %sub3A_1239 = arith.subf %sub3A_1238, %slice3A_1236 : vector<8x1024xf32>
    %broadcast_in_dim3A_1240 = vector.shape_cast %slice3A_1237 : vector<8xf32> to vector<8x1xf32>
    %add3A_1241 = vector.broadcast %broadcast_in_dim3A_1240 : vector<8x1xf32> to vector<8x1024xf32>
    %add3A_1242 = arith.addf %sub3A_1239, %add3A_1241 : vector<8x1024xf32>
    %lt3A_1243 = arith.cmpf olt, %add3A_1242, %select_n3A_1231 : vector<8x1024xf32>
    %select_n3A_1244 = arith.select %lt3A_1243, %add3A_1242, %select_n3A_1231 : vector<8x1024xi1>, vector<8x1024xf32>
    %add3A_1245 = arith.constant 752 : i32
    %add3A_1246 = vector.broadcast %add3A_1245 : i32 to vector<8x1024xi32>
    %add3A_1247 = arith.addi %iota3A, %add3A_1246 : vector<8x1024xi32>
    %select_n3A_1248 = arith.select %lt3A_1243, %add3A_1247, %select_n3A_1235 : vector<8x1024xi1>, vector<8x1024xi32>
    %slice3A_1249 = vector.extract_strided_slice %dot_general3A_10 {offsets = [760, 0], sizes = [8, 1024], strides = [1, 1]} : vector<1024x1024xf32> to vector<8x1024xf32>
    %slice3A_1250 = vector.extract_strided_slice %reduce_sum3A_14 {offsets = [760], sizes = [8], strides = [1]} : vector<1024xf32> to vector<8xf32>
    %sub3A_1251 = vector.broadcast %broadcast_in_dim3A : vector<1x1024xf32> to vector<8x1024xf32>
    %sub3A_1252 = arith.subf %sub3A_1251, %slice3A_1249 : vector<8x1024xf32>
    %broadcast_in_dim3A_1253 = vector.shape_cast %slice3A_1250 : vector<8xf32> to vector<8x1xf32>
    %add3A_1254 = vector.broadcast %broadcast_in_dim3A_1253 : vector<8x1xf32> to vector<8x1024xf32>
    %add3A_1255 = arith.addf %sub3A_1252, %add3A_1254 : vector<8x1024xf32>
    %lt3A_1256 = arith.cmpf olt, %add3A_1255, %select_n3A_1244 : vector<8x1024xf32>
    %select_n3A_1257 = arith.select %lt3A_1256, %add3A_1255, %select_n3A_1244 : vector<8x1024xi1>, vector<8x1024xf32>
    %add3A_1258 = arith.constant 760 : i32
    %add3A_1259 = vector.broadcast %add3A_1258 : i32 to vector<8x1024xi32>
    %add3A_1260 = arith.addi %iota3A, %add3A_1259 : vector<8x1024xi32>
    %select_n3A_1261 = arith.select %lt3A_1256, %add3A_1260, %select_n3A_1248 : vector<8x1024xi1>, vector<8x1024xi32>
    %slice3A_1262 = vector.extract_strided_slice %dot_general3A_10 {offsets = [768, 0], sizes = [8, 1024], strides = [1, 1]} : vector<1024x1024xf32> to vector<8x1024xf32>
    %slice3A_1263 = vector.extract_strided_slice %reduce_sum3A_14 {offsets = [768], sizes = [8], strides = [1]} : vector<1024xf32> to vector<8xf32>
    %sub3A_1264 = vector.broadcast %broadcast_in_dim3A : vector<1x1024xf32> to vector<8x1024xf32>
    %sub3A_1265 = arith.subf %sub3A_1264, %slice3A_1262 : vector<8x1024xf32>
    %broadcast_in_dim3A_1266 = vector.shape_cast %slice3A_1263 : vector<8xf32> to vector<8x1xf32>
    %add3A_1267 = vector.broadcast %broadcast_in_dim3A_1266 : vector<8x1xf32> to vector<8x1024xf32>
    %add3A_1268 = arith.addf %sub3A_1265, %add3A_1267 : vector<8x1024xf32>
    %lt3A_1269 = arith.cmpf olt, %add3A_1268, %select_n3A_1257 : vector<8x1024xf32>
    %select_n3A_1270 = arith.select %lt3A_1269, %add3A_1268, %select_n3A_1257 : vector<8x1024xi1>, vector<8x1024xf32>
    %add3A_1271 = arith.constant 768 : i32
    %add3A_1272 = vector.broadcast %add3A_1271 : i32 to vector<8x1024xi32>
    %add3A_1273 = arith.addi %iota3A, %add3A_1272 : vector<8x1024xi32>
    %select_n3A_1274 = arith.select %lt3A_1269, %add3A_1273, %select_n3A_1261 : vector<8x1024xi1>, vector<8x1024xi32>
    %slice3A_1275 = vector.extract_strided_slice %dot_general3A_10 {offsets = [776, 0], sizes = [8, 1024], strides = [1, 1]} : vector<1024x1024xf32> to vector<8x1024xf32>
    %slice3A_1276 = vector.extract_strided_slice %reduce_sum3A_14 {offsets = [776], sizes = [8], strides = [1]} : vector<1024xf32> to vector<8xf32>
    %sub3A_1277 = vector.broadcast %broadcast_in_dim3A : vector<1x1024xf32> to vector<8x1024xf32>
    %sub3A_1278 = arith.subf %sub3A_1277, %slice3A_1275 : vector<8x1024xf32>
    %broadcast_in_dim3A_1279 = vector.shape_cast %slice3A_1276 : vector<8xf32> to vector<8x1xf32>
    %add3A_1280 = vector.broadcast %broadcast_in_dim3A_1279 : vector<8x1xf32> to vector<8x1024xf32>
    %add3A_1281 = arith.addf %sub3A_1278, %add3A_1280 : vector<8x1024xf32>
    %lt3A_1282 = arith.cmpf olt, %add3A_1281, %select_n3A_1270 : vector<8x1024xf32>
    %select_n3A_1283 = arith.select %lt3A_1282, %add3A_1281, %select_n3A_1270 : vector<8x1024xi1>, vector<8x1024xf32>
    %add3A_1284 = arith.constant 776 : i32
    %add3A_1285 = vector.broadcast %add3A_1284 : i32 to vector<8x1024xi32>
    %add3A_1286 = arith.addi %iota3A, %add3A_1285 : vector<8x1024xi32>
    %select_n3A_1287 = arith.select %lt3A_1282, %add3A_1286, %select_n3A_1274 : vector<8x1024xi1>, vector<8x1024xi32>
    %slice3A_1288 = vector.extract_strided_slice %dot_general3A_10 {offsets = [784, 0], sizes = [8, 1024], strides = [1, 1]} : vector<1024x1024xf32> to vector<8x1024xf32>
    %slice3A_1289 = vector.extract_strided_slice %reduce_sum3A_14 {offsets = [784], sizes = [8], strides = [1]} : vector<1024xf32> to vector<8xf32>
    %sub3A_1290 = vector.broadcast %broadcast_in_dim3A : vector<1x1024xf32> to vector<8x1024xf32>
    %sub3A_1291 = arith.subf %sub3A_1290, %slice3A_1288 : vector<8x1024xf32>
    %broadcast_in_dim3A_1292 = vector.shape_cast %slice3A_1289 : vector<8xf32> to vector<8x1xf32>
    %add3A_1293 = vector.broadcast %broadcast_in_dim3A_1292 : vector<8x1xf32> to vector<8x1024xf32>
    %add3A_1294 = arith.addf %sub3A_1291, %add3A_1293 : vector<8x1024xf32>
    %lt3A_1295 = arith.cmpf olt, %add3A_1294, %select_n3A_1283 : vector<8x1024xf32>
    %select_n3A_1296 = arith.select %lt3A_1295, %add3A_1294, %select_n3A_1283 : vector<8x1024xi1>, vector<8x1024xf32>
    %add3A_1297 = arith.constant 784 : i32
    %add3A_1298 = vector.broadcast %add3A_1297 : i32 to vector<8x1024xi32>
    %add3A_1299 = arith.addi %iota3A, %add3A_1298 : vector<8x1024xi32>
    %select_n3A_1300 = arith.select %lt3A_1295, %add3A_1299, %select_n3A_1287 : vector<8x1024xi1>, vector<8x1024xi32>
    %slice3A_1301 = vector.extract_strided_slice %dot_general3A_10 {offsets = [792, 0], sizes = [8, 1024], strides = [1, 1]} : vector<1024x1024xf32> to vector<8x1024xf32>
    %slice3A_1302 = vector.extract_strided_slice %reduce_sum3A_14 {offsets = [792], sizes = [8], strides = [1]} : vector<1024xf32> to vector<8xf32>
    %sub3A_1303 = vector.broadcast %broadcast_in_dim3A : vector<1x1024xf32> to vector<8x1024xf32>
    %sub3A_1304 = arith.subf %sub3A_1303, %slice3A_1301 : vector<8x1024xf32>
    %broadcast_in_dim3A_1305 = vector.shape_cast %slice3A_1302 : vector<8xf32> to vector<8x1xf32>
    %add3A_1306 = vector.broadcast %broadcast_in_dim3A_1305 : vector<8x1xf32> to vector<8x1024xf32>
    %add3A_1307 = arith.addf %sub3A_1304, %add3A_1306 : vector<8x1024xf32>
    %lt3A_1308 = arith.cmpf olt, %add3A_1307, %select_n3A_1296 : vector<8x1024xf32>
    %select_n3A_1309 = arith.select %lt3A_1308, %add3A_1307, %select_n3A_1296 : vector<8x1024xi1>, vector<8x1024xf32>
    %add3A_1310 = arith.constant 792 : i32
    %add3A_1311 = vector.broadcast %add3A_1310 : i32 to vector<8x1024xi32>
    %add3A_1312 = arith.addi %iota3A, %add3A_1311 : vector<8x1024xi32>
    %select_n3A_1313 = arith.select %lt3A_1308, %add3A_1312, %select_n3A_1300 : vector<8x1024xi1>, vector<8x1024xi32>
    %slice3A_1314 = vector.extract_strided_slice %dot_general3A_10 {offsets = [800, 0], sizes = [8, 1024], strides = [1, 1]} : vector<1024x1024xf32> to vector<8x1024xf32>
    %slice3A_1315 = vector.extract_strided_slice %reduce_sum3A_14 {offsets = [800], sizes = [8], strides = [1]} : vector<1024xf32> to vector<8xf32>
    %sub3A_1316 = vector.broadcast %broadcast_in_dim3A : vector<1x1024xf32> to vector<8x1024xf32>
    %sub3A_1317 = arith.subf %sub3A_1316, %slice3A_1314 : vector<8x1024xf32>
    %broadcast_in_dim3A_1318 = vector.shape_cast %slice3A_1315 : vector<8xf32> to vector<8x1xf32>
    %add3A_1319 = vector.broadcast %broadcast_in_dim3A_1318 : vector<8x1xf32> to vector<8x1024xf32>
    %add3A_1320 = arith.addf %sub3A_1317, %add3A_1319 : vector<8x1024xf32>
    %lt3A_1321 = arith.cmpf olt, %add3A_1320, %select_n3A_1309 : vector<8x1024xf32>
    %select_n3A_1322 = arith.select %lt3A_1321, %add3A_1320, %select_n3A_1309 : vector<8x1024xi1>, vector<8x1024xf32>
    %add3A_1323 = arith.constant 800 : i32
    %add3A_1324 = vector.broadcast %add3A_1323 : i32 to vector<8x1024xi32>
    %add3A_1325 = arith.addi %iota3A, %add3A_1324 : vector<8x1024xi32>
    %select_n3A_1326 = arith.select %lt3A_1321, %add3A_1325, %select_n3A_1313 : vector<8x1024xi1>, vector<8x1024xi32>
    %slice3A_1327 = vector.extract_strided_slice %dot_general3A_10 {offsets = [808, 0], sizes = [8, 1024], strides = [1, 1]} : vector<1024x1024xf32> to vector<8x1024xf32>
    %slice3A_1328 = vector.extract_strided_slice %reduce_sum3A_14 {offsets = [808], sizes = [8], strides = [1]} : vector<1024xf32> to vector<8xf32>
    %sub3A_1329 = vector.broadcast %broadcast_in_dim3A : vector<1x1024xf32> to vector<8x1024xf32>
    %sub3A_1330 = arith.subf %sub3A_1329, %slice3A_1327 : vector<8x1024xf32>
    %broadcast_in_dim3A_1331 = vector.shape_cast %slice3A_1328 : vector<8xf32> to vector<8x1xf32>
    %add3A_1332 = vector.broadcast %broadcast_in_dim3A_1331 : vector<8x1xf32> to vector<8x1024xf32>
    %add3A_1333 = arith.addf %sub3A_1330, %add3A_1332 : vector<8x1024xf32>
    %lt3A_1334 = arith.cmpf olt, %add3A_1333, %select_n3A_1322 : vector<8x1024xf32>
    %select_n3A_1335 = arith.select %lt3A_1334, %add3A_1333, %select_n3A_1322 : vector<8x1024xi1>, vector<8x1024xf32>
    %add3A_1336 = arith.constant 808 : i32
    %add3A_1337 = vector.broadcast %add3A_1336 : i32 to vector<8x1024xi32>
    %add3A_1338 = arith.addi %iota3A, %add3A_1337 : vector<8x1024xi32>
    %select_n3A_1339 = arith.select %lt3A_1334, %add3A_1338, %select_n3A_1326 : vector<8x1024xi1>, vector<8x1024xi32>
    %slice3A_1340 = vector.extract_strided_slice %dot_general3A_10 {offsets = [816, 0], sizes = [8, 1024], strides = [1, 1]} : vector<1024x1024xf32> to vector<8x1024xf32>
    %slice3A_1341 = vector.extract_strided_slice %reduce_sum3A_14 {offsets = [816], sizes = [8], strides = [1]} : vector<1024xf32> to vector<8xf32>
    %sub3A_1342 = vector.broadcast %broadcast_in_dim3A : vector<1x1024xf32> to vector<8x1024xf32>
    %sub3A_1343 = arith.subf %sub3A_1342, %slice3A_1340 : vector<8x1024xf32>
    %broadcast_in_dim3A_1344 = vector.shape_cast %slice3A_1341 : vector<8xf32> to vector<8x1xf32>
    %add3A_1345 = vector.broadcast %broadcast_in_dim3A_1344 : vector<8x1xf32> to vector<8x1024xf32>
    %add3A_1346 = arith.addf %sub3A_1343, %add3A_1345 : vector<8x1024xf32>
    %lt3A_1347 = arith.cmpf olt, %add3A_1346, %select_n3A_1335 : vector<8x1024xf32>
    %select_n3A_1348 = arith.select %lt3A_1347, %add3A_1346, %select_n3A_1335 : vector<8x1024xi1>, vector<8x1024xf32>
    %add3A_1349 = arith.constant 816 : i32
    %add3A_1350 = vector.broadcast %add3A_1349 : i32 to vector<8x1024xi32>
    %add3A_1351 = arith.addi %iota3A, %add3A_1350 : vector<8x1024xi32>
    %select_n3A_1352 = arith.select %lt3A_1347, %add3A_1351, %select_n3A_1339 : vector<8x1024xi1>, vector<8x1024xi32>
    %slice3A_1353 = vector.extract_strided_slice %dot_general3A_10 {offsets = [824, 0], sizes = [8, 1024], strides = [1, 1]} : vector<1024x1024xf32> to vector<8x1024xf32>
    %slice3A_1354 = vector.extract_strided_slice %reduce_sum3A_14 {offsets = [824], sizes = [8], strides = [1]} : vector<1024xf32> to vector<8xf32>
    %sub3A_1355 = vector.broadcast %broadcast_in_dim3A : vector<1x1024xf32> to vector<8x1024xf32>
    %sub3A_1356 = arith.subf %sub3A_1355, %slice3A_1353 : vector<8x1024xf32>
    %broadcast_in_dim3A_1357 = vector.shape_cast %slice3A_1354 : vector<8xf32> to vector<8x1xf32>
    %add3A_1358 = vector.broadcast %broadcast_in_dim3A_1357 : vector<8x1xf32> to vector<8x1024xf32>
    %add3A_1359 = arith.addf %sub3A_1356, %add3A_1358 : vector<8x1024xf32>
    %lt3A_1360 = arith.cmpf olt, %add3A_1359, %select_n3A_1348 : vector<8x1024xf32>
    %select_n3A_1361 = arith.select %lt3A_1360, %add3A_1359, %select_n3A_1348 : vector<8x1024xi1>, vector<8x1024xf32>
    %add3A_1362 = arith.constant 824 : i32
    %add3A_1363 = vector.broadcast %add3A_1362 : i32 to vector<8x1024xi32>
    %add3A_1364 = arith.addi %iota3A, %add3A_1363 : vector<8x1024xi32>
    %select_n3A_1365 = arith.select %lt3A_1360, %add3A_1364, %select_n3A_1352 : vector<8x1024xi1>, vector<8x1024xi32>
    %slice3A_1366 = vector.extract_strided_slice %dot_general3A_10 {offsets = [832, 0], sizes = [8, 1024], strides = [1, 1]} : vector<1024x1024xf32> to vector<8x1024xf32>
    %slice3A_1367 = vector.extract_strided_slice %reduce_sum3A_14 {offsets = [832], sizes = [8], strides = [1]} : vector<1024xf32> to vector<8xf32>
    %sub3A_1368 = vector.broadcast %broadcast_in_dim3A : vector<1x1024xf32> to vector<8x1024xf32>
    %sub3A_1369 = arith.subf %sub3A_1368, %slice3A_1366 : vector<8x1024xf32>
    %broadcast_in_dim3A_1370 = vector.shape_cast %slice3A_1367 : vector<8xf32> to vector<8x1xf32>
    %add3A_1371 = vector.broadcast %broadcast_in_dim3A_1370 : vector<8x1xf32> to vector<8x1024xf32>
    %add3A_1372 = arith.addf %sub3A_1369, %add3A_1371 : vector<8x1024xf32>
    %lt3A_1373 = arith.cmpf olt, %add3A_1372, %select_n3A_1361 : vector<8x1024xf32>
    %select_n3A_1374 = arith.select %lt3A_1373, %add3A_1372, %select_n3A_1361 : vector<8x1024xi1>, vector<8x1024xf32>
    %add3A_1375 = arith.constant 832 : i32
    %add3A_1376 = vector.broadcast %add3A_1375 : i32 to vector<8x1024xi32>
    %add3A_1377 = arith.addi %iota3A, %add3A_1376 : vector<8x1024xi32>
    %select_n3A_1378 = arith.select %lt3A_1373, %add3A_1377, %select_n3A_1365 : vector<8x1024xi1>, vector<8x1024xi32>
    %slice3A_1379 = vector.extract_strided_slice %dot_general3A_10 {offsets = [840, 0], sizes = [8, 1024], strides = [1, 1]} : vector<1024x1024xf32> to vector<8x1024xf32>
    %slice3A_1380 = vector.extract_strided_slice %reduce_sum3A_14 {offsets = [840], sizes = [8], strides = [1]} : vector<1024xf32> to vector<8xf32>
    %sub3A_1381 = vector.broadcast %broadcast_in_dim3A : vector<1x1024xf32> to vector<8x1024xf32>
    %sub3A_1382 = arith.subf %sub3A_1381, %slice3A_1379 : vector<8x1024xf32>
    %broadcast_in_dim3A_1383 = vector.shape_cast %slice3A_1380 : vector<8xf32> to vector<8x1xf32>
    %add3A_1384 = vector.broadcast %broadcast_in_dim3A_1383 : vector<8x1xf32> to vector<8x1024xf32>
    %add3A_1385 = arith.addf %sub3A_1382, %add3A_1384 : vector<8x1024xf32>
    %lt3A_1386 = arith.cmpf olt, %add3A_1385, %select_n3A_1374 : vector<8x1024xf32>
    %select_n3A_1387 = arith.select %lt3A_1386, %add3A_1385, %select_n3A_1374 : vector<8x1024xi1>, vector<8x1024xf32>
    %add3A_1388 = arith.constant 840 : i32
    %add3A_1389 = vector.broadcast %add3A_1388 : i32 to vector<8x1024xi32>
    %add3A_1390 = arith.addi %iota3A, %add3A_1389 : vector<8x1024xi32>
    %select_n3A_1391 = arith.select %lt3A_1386, %add3A_1390, %select_n3A_1378 : vector<8x1024xi1>, vector<8x1024xi32>
    %slice3A_1392 = vector.extract_strided_slice %dot_general3A_10 {offsets = [848, 0], sizes = [8, 1024], strides = [1, 1]} : vector<1024x1024xf32> to vector<8x1024xf32>
    %slice3A_1393 = vector.extract_strided_slice %reduce_sum3A_14 {offsets = [848], sizes = [8], strides = [1]} : vector<1024xf32> to vector<8xf32>
    %sub3A_1394 = vector.broadcast %broadcast_in_dim3A : vector<1x1024xf32> to vector<8x1024xf32>
    %sub3A_1395 = arith.subf %sub3A_1394, %slice3A_1392 : vector<8x1024xf32>
    %broadcast_in_dim3A_1396 = vector.shape_cast %slice3A_1393 : vector<8xf32> to vector<8x1xf32>
    %add3A_1397 = vector.broadcast %broadcast_in_dim3A_1396 : vector<8x1xf32> to vector<8x1024xf32>
    %add3A_1398 = arith.addf %sub3A_1395, %add3A_1397 : vector<8x1024xf32>
    %lt3A_1399 = arith.cmpf olt, %add3A_1398, %select_n3A_1387 : vector<8x1024xf32>
    %select_n3A_1400 = arith.select %lt3A_1399, %add3A_1398, %select_n3A_1387 : vector<8x1024xi1>, vector<8x1024xf32>
    %add3A_1401 = arith.constant 848 : i32
    %add3A_1402 = vector.broadcast %add3A_1401 : i32 to vector<8x1024xi32>
    %add3A_1403 = arith.addi %iota3A, %add3A_1402 : vector<8x1024xi32>
    %select_n3A_1404 = arith.select %lt3A_1399, %add3A_1403, %select_n3A_1391 : vector<8x1024xi1>, vector<8x1024xi32>
    %slice3A_1405 = vector.extract_strided_slice %dot_general3A_10 {offsets = [856, 0], sizes = [8, 1024], strides = [1, 1]} : vector<1024x1024xf32> to vector<8x1024xf32>
    %slice3A_1406 = vector.extract_strided_slice %reduce_sum3A_14 {offsets = [856], sizes = [8], strides = [1]} : vector<1024xf32> to vector<8xf32>
    %sub3A_1407 = vector.broadcast %broadcast_in_dim3A : vector<1x1024xf32> to vector<8x1024xf32>
    %sub3A_1408 = arith.subf %sub3A_1407, %slice3A_1405 : vector<8x1024xf32>
    %broadcast_in_dim3A_1409 = vector.shape_cast %slice3A_1406 : vector<8xf32> to vector<8x1xf32>
    %add3A_1410 = vector.broadcast %broadcast_in_dim3A_1409 : vector<8x1xf32> to vector<8x1024xf32>
    %add3A_1411 = arith.addf %sub3A_1408, %add3A_1410 : vector<8x1024xf32>
    %lt3A_1412 = arith.cmpf olt, %add3A_1411, %select_n3A_1400 : vector<8x1024xf32>
    %select_n3A_1413 = arith.select %lt3A_1412, %add3A_1411, %select_n3A_1400 : vector<8x1024xi1>, vector<8x1024xf32>
    %add3A_1414 = arith.constant 856 : i32
    %add3A_1415 = vector.broadcast %add3A_1414 : i32 to vector<8x1024xi32>
    %add3A_1416 = arith.addi %iota3A, %add3A_1415 : vector<8x1024xi32>
    %select_n3A_1417 = arith.select %lt3A_1412, %add3A_1416, %select_n3A_1404 : vector<8x1024xi1>, vector<8x1024xi32>
    %slice3A_1418 = vector.extract_strided_slice %dot_general3A_10 {offsets = [864, 0], sizes = [8, 1024], strides = [1, 1]} : vector<1024x1024xf32> to vector<8x1024xf32>
    %slice3A_1419 = vector.extract_strided_slice %reduce_sum3A_14 {offsets = [864], sizes = [8], strides = [1]} : vector<1024xf32> to vector<8xf32>
    %sub3A_1420 = vector.broadcast %broadcast_in_dim3A : vector<1x1024xf32> to vector<8x1024xf32>
    %sub3A_1421 = arith.subf %sub3A_1420, %slice3A_1418 : vector<8x1024xf32>
    %broadcast_in_dim3A_1422 = vector.shape_cast %slice3A_1419 : vector<8xf32> to vector<8x1xf32>
    %add3A_1423 = vector.broadcast %broadcast_in_dim3A_1422 : vector<8x1xf32> to vector<8x1024xf32>
    %add3A_1424 = arith.addf %sub3A_1421, %add3A_1423 : vector<8x1024xf32>
    %lt3A_1425 = arith.cmpf olt, %add3A_1424, %select_n3A_1413 : vector<8x1024xf32>
    %select_n3A_1426 = arith.select %lt3A_1425, %add3A_1424, %select_n3A_1413 : vector<8x1024xi1>, vector<8x1024xf32>
    %add3A_1427 = arith.constant 864 : i32
    %add3A_1428 = vector.broadcast %add3A_1427 : i32 to vector<8x1024xi32>
    %add3A_1429 = arith.addi %iota3A, %add3A_1428 : vector<8x1024xi32>
    %select_n3A_1430 = arith.select %lt3A_1425, %add3A_1429, %select_n3A_1417 : vector<8x1024xi1>, vector<8x1024xi32>
    %slice3A_1431 = vector.extract_strided_slice %dot_general3A_10 {offsets = [872, 0], sizes = [8, 1024], strides = [1, 1]} : vector<1024x1024xf32> to vector<8x1024xf32>
    %slice3A_1432 = vector.extract_strided_slice %reduce_sum3A_14 {offsets = [872], sizes = [8], strides = [1]} : vector<1024xf32> to vector<8xf32>
    %sub3A_1433 = vector.broadcast %broadcast_in_dim3A : vector<1x1024xf32> to vector<8x1024xf32>
    %sub3A_1434 = arith.subf %sub3A_1433, %slice3A_1431 : vector<8x1024xf32>
    %broadcast_in_dim3A_1435 = vector.shape_cast %slice3A_1432 : vector<8xf32> to vector<8x1xf32>
    %add3A_1436 = vector.broadcast %broadcast_in_dim3A_1435 : vector<8x1xf32> to vector<8x1024xf32>
    %add3A_1437 = arith.addf %sub3A_1434, %add3A_1436 : vector<8x1024xf32>
    %lt3A_1438 = arith.cmpf olt, %add3A_1437, %select_n3A_1426 : vector<8x1024xf32>
    %select_n3A_1439 = arith.select %lt3A_1438, %add3A_1437, %select_n3A_1426 : vector<8x1024xi1>, vector<8x1024xf32>
    %add3A_1440 = arith.constant 872 : i32
    %add3A_1441 = vector.broadcast %add3A_1440 : i32 to vector<8x1024xi32>
    %add3A_1442 = arith.addi %iota3A, %add3A_1441 : vector<8x1024xi32>
    %select_n3A_1443 = arith.select %lt3A_1438, %add3A_1442, %select_n3A_1430 : vector<8x1024xi1>, vector<8x1024xi32>
    %slice3A_1444 = vector.extract_strided_slice %dot_general3A_10 {offsets = [880, 0], sizes = [8, 1024], strides = [1, 1]} : vector<1024x1024xf32> to vector<8x1024xf32>
    %slice3A_1445 = vector.extract_strided_slice %reduce_sum3A_14 {offsets = [880], sizes = [8], strides = [1]} : vector<1024xf32> to vector<8xf32>
    %sub3A_1446 = vector.broadcast %broadcast_in_dim3A : vector<1x1024xf32> to vector<8x1024xf32>
    %sub3A_1447 = arith.subf %sub3A_1446, %slice3A_1444 : vector<8x1024xf32>
    %broadcast_in_dim3A_1448 = vector.shape_cast %slice3A_1445 : vector<8xf32> to vector<8x1xf32>
    %add3A_1449 = vector.broadcast %broadcast_in_dim3A_1448 : vector<8x1xf32> to vector<8x1024xf32>
    %add3A_1450 = arith.addf %sub3A_1447, %add3A_1449 : vector<8x1024xf32>
    %lt3A_1451 = arith.cmpf olt, %add3A_1450, %select_n3A_1439 : vector<8x1024xf32>
    %select_n3A_1452 = arith.select %lt3A_1451, %add3A_1450, %select_n3A_1439 : vector<8x1024xi1>, vector<8x1024xf32>
    %add3A_1453 = arith.constant 880 : i32
    %add3A_1454 = vector.broadcast %add3A_1453 : i32 to vector<8x1024xi32>
    %add3A_1455 = arith.addi %iota3A, %add3A_1454 : vector<8x1024xi32>
    %select_n3A_1456 = arith.select %lt3A_1451, %add3A_1455, %select_n3A_1443 : vector<8x1024xi1>, vector<8x1024xi32>
    %slice3A_1457 = vector.extract_strided_slice %dot_general3A_10 {offsets = [888, 0], sizes = [8, 1024], strides = [1, 1]} : vector<1024x1024xf32> to vector<8x1024xf32>
    %slice3A_1458 = vector.extract_strided_slice %reduce_sum3A_14 {offsets = [888], sizes = [8], strides = [1]} : vector<1024xf32> to vector<8xf32>
    %sub3A_1459 = vector.broadcast %broadcast_in_dim3A : vector<1x1024xf32> to vector<8x1024xf32>
    %sub3A_1460 = arith.subf %sub3A_1459, %slice3A_1457 : vector<8x1024xf32>
    %broadcast_in_dim3A_1461 = vector.shape_cast %slice3A_1458 : vector<8xf32> to vector<8x1xf32>
    %add3A_1462 = vector.broadcast %broadcast_in_dim3A_1461 : vector<8x1xf32> to vector<8x1024xf32>
    %add3A_1463 = arith.addf %sub3A_1460, %add3A_1462 : vector<8x1024xf32>
    %lt3A_1464 = arith.cmpf olt, %add3A_1463, %select_n3A_1452 : vector<8x1024xf32>
    %select_n3A_1465 = arith.select %lt3A_1464, %add3A_1463, %select_n3A_1452 : vector<8x1024xi1>, vector<8x1024xf32>
    %add3A_1466 = arith.constant 888 : i32
    %add3A_1467 = vector.broadcast %add3A_1466 : i32 to vector<8x1024xi32>
    %add3A_1468 = arith.addi %iota3A, %add3A_1467 : vector<8x1024xi32>
    %select_n3A_1469 = arith.select %lt3A_1464, %add3A_1468, %select_n3A_1456 : vector<8x1024xi1>, vector<8x1024xi32>
    %slice3A_1470 = vector.extract_strided_slice %dot_general3A_10 {offsets = [896, 0], sizes = [8, 1024], strides = [1, 1]} : vector<1024x1024xf32> to vector<8x1024xf32>
    %slice3A_1471 = vector.extract_strided_slice %reduce_sum3A_14 {offsets = [896], sizes = [8], strides = [1]} : vector<1024xf32> to vector<8xf32>
    %sub3A_1472 = vector.broadcast %broadcast_in_dim3A : vector<1x1024xf32> to vector<8x1024xf32>
    %sub3A_1473 = arith.subf %sub3A_1472, %slice3A_1470 : vector<8x1024xf32>
    %broadcast_in_dim3A_1474 = vector.shape_cast %slice3A_1471 : vector<8xf32> to vector<8x1xf32>
    %add3A_1475 = vector.broadcast %broadcast_in_dim3A_1474 : vector<8x1xf32> to vector<8x1024xf32>
    %add3A_1476 = arith.addf %sub3A_1473, %add3A_1475 : vector<8x1024xf32>
    %lt3A_1477 = arith.cmpf olt, %add3A_1476, %select_n3A_1465 : vector<8x1024xf32>
    %select_n3A_1478 = arith.select %lt3A_1477, %add3A_1476, %select_n3A_1465 : vector<8x1024xi1>, vector<8x1024xf32>
    %add3A_1479 = arith.constant 896 : i32
    %add3A_1480 = vector.broadcast %add3A_1479 : i32 to vector<8x1024xi32>
    %add3A_1481 = arith.addi %iota3A, %add3A_1480 : vector<8x1024xi32>
    %select_n3A_1482 = arith.select %lt3A_1477, %add3A_1481, %select_n3A_1469 : vector<8x1024xi1>, vector<8x1024xi32>
    %slice3A_1483 = vector.extract_strided_slice %dot_general3A_10 {offsets = [904, 0], sizes = [8, 1024], strides = [1, 1]} : vector<1024x1024xf32> to vector<8x1024xf32>
    %slice3A_1484 = vector.extract_strided_slice %reduce_sum3A_14 {offsets = [904], sizes = [8], strides = [1]} : vector<1024xf32> to vector<8xf32>
    %sub3A_1485 = vector.broadcast %broadcast_in_dim3A : vector<1x1024xf32> to vector<8x1024xf32>
    %sub3A_1486 = arith.subf %sub3A_1485, %slice3A_1483 : vector<8x1024xf32>
    %broadcast_in_dim3A_1487 = vector.shape_cast %slice3A_1484 : vector<8xf32> to vector<8x1xf32>
    %add3A_1488 = vector.broadcast %broadcast_in_dim3A_1487 : vector<8x1xf32> to vector<8x1024xf32>
    %add3A_1489 = arith.addf %sub3A_1486, %add3A_1488 : vector<8x1024xf32>
    %lt3A_1490 = arith.cmpf olt, %add3A_1489, %select_n3A_1478 : vector<8x1024xf32>
    %select_n3A_1491 = arith.select %lt3A_1490, %add3A_1489, %select_n3A_1478 : vector<8x1024xi1>, vector<8x1024xf32>
    %add3A_1492 = arith.constant 904 : i32
    %add3A_1493 = vector.broadcast %add3A_1492 : i32 to vector<8x1024xi32>
    %add3A_1494 = arith.addi %iota3A, %add3A_1493 : vector<8x1024xi32>
    %select_n3A_1495 = arith.select %lt3A_1490, %add3A_1494, %select_n3A_1482 : vector<8x1024xi1>, vector<8x1024xi32>
    %slice3A_1496 = vector.extract_strided_slice %dot_general3A_10 {offsets = [912, 0], sizes = [8, 1024], strides = [1, 1]} : vector<1024x1024xf32> to vector<8x1024xf32>
    %slice3A_1497 = vector.extract_strided_slice %reduce_sum3A_14 {offsets = [912], sizes = [8], strides = [1]} : vector<1024xf32> to vector<8xf32>
    %sub3A_1498 = vector.broadcast %broadcast_in_dim3A : vector<1x1024xf32> to vector<8x1024xf32>
    %sub3A_1499 = arith.subf %sub3A_1498, %slice3A_1496 : vector<8x1024xf32>
    %broadcast_in_dim3A_1500 = vector.shape_cast %slice3A_1497 : vector<8xf32> to vector<8x1xf32>
    %add3A_1501 = vector.broadcast %broadcast_in_dim3A_1500 : vector<8x1xf32> to vector<8x1024xf32>
    %add3A_1502 = arith.addf %sub3A_1499, %add3A_1501 : vector<8x1024xf32>
    %lt3A_1503 = arith.cmpf olt, %add3A_1502, %select_n3A_1491 : vector<8x1024xf32>
    %select_n3A_1504 = arith.select %lt3A_1503, %add3A_1502, %select_n3A_1491 : vector<8x1024xi1>, vector<8x1024xf32>
    %add3A_1505 = arith.constant 912 : i32
    %add3A_1506 = vector.broadcast %add3A_1505 : i32 to vector<8x1024xi32>
    %add3A_1507 = arith.addi %iota3A, %add3A_1506 : vector<8x1024xi32>
    %select_n3A_1508 = arith.select %lt3A_1503, %add3A_1507, %select_n3A_1495 : vector<8x1024xi1>, vector<8x1024xi32>
    %slice3A_1509 = vector.extract_strided_slice %dot_general3A_10 {offsets = [920, 0], sizes = [8, 1024], strides = [1, 1]} : vector<1024x1024xf32> to vector<8x1024xf32>
    %slice3A_1510 = vector.extract_strided_slice %reduce_sum3A_14 {offsets = [920], sizes = [8], strides = [1]} : vector<1024xf32> to vector<8xf32>
    %sub3A_1511 = vector.broadcast %broadcast_in_dim3A : vector<1x1024xf32> to vector<8x1024xf32>
    %sub3A_1512 = arith.subf %sub3A_1511, %slice3A_1509 : vector<8x1024xf32>
    %broadcast_in_dim3A_1513 = vector.shape_cast %slice3A_1510 : vector<8xf32> to vector<8x1xf32>
    %add3A_1514 = vector.broadcast %broadcast_in_dim3A_1513 : vector<8x1xf32> to vector<8x1024xf32>
    %add3A_1515 = arith.addf %sub3A_1512, %add3A_1514 : vector<8x1024xf32>
    %lt3A_1516 = arith.cmpf olt, %add3A_1515, %select_n3A_1504 : vector<8x1024xf32>
    %select_n3A_1517 = arith.select %lt3A_1516, %add3A_1515, %select_n3A_1504 : vector<8x1024xi1>, vector<8x1024xf32>
    %add3A_1518 = arith.constant 920 : i32
    %add3A_1519 = vector.broadcast %add3A_1518 : i32 to vector<8x1024xi32>
    %add3A_1520 = arith.addi %iota3A, %add3A_1519 : vector<8x1024xi32>
    %select_n3A_1521 = arith.select %lt3A_1516, %add3A_1520, %select_n3A_1508 : vector<8x1024xi1>, vector<8x1024xi32>
    %slice3A_1522 = vector.extract_strided_slice %dot_general3A_10 {offsets = [928, 0], sizes = [8, 1024], strides = [1, 1]} : vector<1024x1024xf32> to vector<8x1024xf32>
    %slice3A_1523 = vector.extract_strided_slice %reduce_sum3A_14 {offsets = [928], sizes = [8], strides = [1]} : vector<1024xf32> to vector<8xf32>
    %sub3A_1524 = vector.broadcast %broadcast_in_dim3A : vector<1x1024xf32> to vector<8x1024xf32>
    %sub3A_1525 = arith.subf %sub3A_1524, %slice3A_1522 : vector<8x1024xf32>
    %broadcast_in_dim3A_1526 = vector.shape_cast %slice3A_1523 : vector<8xf32> to vector<8x1xf32>
    %add3A_1527 = vector.broadcast %broadcast_in_dim3A_1526 : vector<8x1xf32> to vector<8x1024xf32>
    %add3A_1528 = arith.addf %sub3A_1525, %add3A_1527 : vector<8x1024xf32>
    %lt3A_1529 = arith.cmpf olt, %add3A_1528, %select_n3A_1517 : vector<8x1024xf32>
    %select_n3A_1530 = arith.select %lt3A_1529, %add3A_1528, %select_n3A_1517 : vector<8x1024xi1>, vector<8x1024xf32>
    %add3A_1531 = arith.constant 928 : i32
    %add3A_1532 = vector.broadcast %add3A_1531 : i32 to vector<8x1024xi32>
    %add3A_1533 = arith.addi %iota3A, %add3A_1532 : vector<8x1024xi32>
    %select_n3A_1534 = arith.select %lt3A_1529, %add3A_1533, %select_n3A_1521 : vector<8x1024xi1>, vector<8x1024xi32>
    %slice3A_1535 = vector.extract_strided_slice %dot_general3A_10 {offsets = [936, 0], sizes = [8, 1024], strides = [1, 1]} : vector<1024x1024xf32> to vector<8x1024xf32>
    %slice3A_1536 = vector.extract_strided_slice %reduce_sum3A_14 {offsets = [936], sizes = [8], strides = [1]} : vector<1024xf32> to vector<8xf32>
    %sub3A_1537 = vector.broadcast %broadcast_in_dim3A : vector<1x1024xf32> to vector<8x1024xf32>
    %sub3A_1538 = arith.subf %sub3A_1537, %slice3A_1535 : vector<8x1024xf32>
    %broadcast_in_dim3A_1539 = vector.shape_cast %slice3A_1536 : vector<8xf32> to vector<8x1xf32>
    %add3A_1540 = vector.broadcast %broadcast_in_dim3A_1539 : vector<8x1xf32> to vector<8x1024xf32>
    %add3A_1541 = arith.addf %sub3A_1538, %add3A_1540 : vector<8x1024xf32>
    %lt3A_1542 = arith.cmpf olt, %add3A_1541, %select_n3A_1530 : vector<8x1024xf32>
    %select_n3A_1543 = arith.select %lt3A_1542, %add3A_1541, %select_n3A_1530 : vector<8x1024xi1>, vector<8x1024xf32>
    %add3A_1544 = arith.constant 936 : i32
    %add3A_1545 = vector.broadcast %add3A_1544 : i32 to vector<8x1024xi32>
    %add3A_1546 = arith.addi %iota3A, %add3A_1545 : vector<8x1024xi32>
    %select_n3A_1547 = arith.select %lt3A_1542, %add3A_1546, %select_n3A_1534 : vector<8x1024xi1>, vector<8x1024xi32>
    %slice3A_1548 = vector.extract_strided_slice %dot_general3A_10 {offsets = [944, 0], sizes = [8, 1024], strides = [1, 1]} : vector<1024x1024xf32> to vector<8x1024xf32>
    %slice3A_1549 = vector.extract_strided_slice %reduce_sum3A_14 {offsets = [944], sizes = [8], strides = [1]} : vector<1024xf32> to vector<8xf32>
    %sub3A_1550 = vector.broadcast %broadcast_in_dim3A : vector<1x1024xf32> to vector<8x1024xf32>
    %sub3A_1551 = arith.subf %sub3A_1550, %slice3A_1548 : vector<8x1024xf32>
    %broadcast_in_dim3A_1552 = vector.shape_cast %slice3A_1549 : vector<8xf32> to vector<8x1xf32>
    %add3A_1553 = vector.broadcast %broadcast_in_dim3A_1552 : vector<8x1xf32> to vector<8x1024xf32>
    %add3A_1554 = arith.addf %sub3A_1551, %add3A_1553 : vector<8x1024xf32>
    %lt3A_1555 = arith.cmpf olt, %add3A_1554, %select_n3A_1543 : vector<8x1024xf32>
    %select_n3A_1556 = arith.select %lt3A_1555, %add3A_1554, %select_n3A_1543 : vector<8x1024xi1>, vector<8x1024xf32>
    %add3A_1557 = arith.constant 944 : i32
    %add3A_1558 = vector.broadcast %add3A_1557 : i32 to vector<8x1024xi32>
    %add3A_1559 = arith.addi %iota3A, %add3A_1558 : vector<8x1024xi32>
    %select_n3A_1560 = arith.select %lt3A_1555, %add3A_1559, %select_n3A_1547 : vector<8x1024xi1>, vector<8x1024xi32>
    %slice3A_1561 = vector.extract_strided_slice %dot_general3A_10 {offsets = [952, 0], sizes = [8, 1024], strides = [1, 1]} : vector<1024x1024xf32> to vector<8x1024xf32>
    %slice3A_1562 = vector.extract_strided_slice %reduce_sum3A_14 {offsets = [952], sizes = [8], strides = [1]} : vector<1024xf32> to vector<8xf32>
    %sub3A_1563 = vector.broadcast %broadcast_in_dim3A : vector<1x1024xf32> to vector<8x1024xf32>
    %sub3A_1564 = arith.subf %sub3A_1563, %slice3A_1561 : vector<8x1024xf32>
    %broadcast_in_dim3A_1565 = vector.shape_cast %slice3A_1562 : vector<8xf32> to vector<8x1xf32>
    %add3A_1566 = vector.broadcast %broadcast_in_dim3A_1565 : vector<8x1xf32> to vector<8x1024xf32>
    %add3A_1567 = arith.addf %sub3A_1564, %add3A_1566 : vector<8x1024xf32>
    %lt3A_1568 = arith.cmpf olt, %add3A_1567, %select_n3A_1556 : vector<8x1024xf32>
    %select_n3A_1569 = arith.select %lt3A_1568, %add3A_1567, %select_n3A_1556 : vector<8x1024xi1>, vector<8x1024xf32>
    %add3A_1570 = arith.constant 952 : i32
    %add3A_1571 = vector.broadcast %add3A_1570 : i32 to vector<8x1024xi32>
    %add3A_1572 = arith.addi %iota3A, %add3A_1571 : vector<8x1024xi32>
    %select_n3A_1573 = arith.select %lt3A_1568, %add3A_1572, %select_n3A_1560 : vector<8x1024xi1>, vector<8x1024xi32>
    %slice3A_1574 = vector.extract_strided_slice %dot_general3A_10 {offsets = [960, 0], sizes = [8, 1024], strides = [1, 1]} : vector<1024x1024xf32> to vector<8x1024xf32>
    %slice3A_1575 = vector.extract_strided_slice %reduce_sum3A_14 {offsets = [960], sizes = [8], strides = [1]} : vector<1024xf32> to vector<8xf32>
    %sub3A_1576 = vector.broadcast %broadcast_in_dim3A : vector<1x1024xf32> to vector<8x1024xf32>
    %sub3A_1577 = arith.subf %sub3A_1576, %slice3A_1574 : vector<8x1024xf32>
    %broadcast_in_dim3A_1578 = vector.shape_cast %slice3A_1575 : vector<8xf32> to vector<8x1xf32>
    %add3A_1579 = vector.broadcast %broadcast_in_dim3A_1578 : vector<8x1xf32> to vector<8x1024xf32>
    %add3A_1580 = arith.addf %sub3A_1577, %add3A_1579 : vector<8x1024xf32>
    %lt3A_1581 = arith.cmpf olt, %add3A_1580, %select_n3A_1569 : vector<8x1024xf32>
    %select_n3A_1582 = arith.select %lt3A_1581, %add3A_1580, %select_n3A_1569 : vector<8x1024xi1>, vector<8x1024xf32>
    %add3A_1583 = arith.constant 960 : i32
    %add3A_1584 = vector.broadcast %add3A_1583 : i32 to vector<8x1024xi32>
    %add3A_1585 = arith.addi %iota3A, %add3A_1584 : vector<8x1024xi32>
    %select_n3A_1586 = arith.select %lt3A_1581, %add3A_1585, %select_n3A_1573 : vector<8x1024xi1>, vector<8x1024xi32>
    %slice3A_1587 = vector.extract_strided_slice %dot_general3A_10 {offsets = [968, 0], sizes = [8, 1024], strides = [1, 1]} : vector<1024x1024xf32> to vector<8x1024xf32>
    %slice3A_1588 = vector.extract_strided_slice %reduce_sum3A_14 {offsets = [968], sizes = [8], strides = [1]} : vector<1024xf32> to vector<8xf32>
    %sub3A_1589 = vector.broadcast %broadcast_in_dim3A : vector<1x1024xf32> to vector<8x1024xf32>
    %sub3A_1590 = arith.subf %sub3A_1589, %slice3A_1587 : vector<8x1024xf32>
    %broadcast_in_dim3A_1591 = vector.shape_cast %slice3A_1588 : vector<8xf32> to vector<8x1xf32>
    %add3A_1592 = vector.broadcast %broadcast_in_dim3A_1591 : vector<8x1xf32> to vector<8x1024xf32>
    %add3A_1593 = arith.addf %sub3A_1590, %add3A_1592 : vector<8x1024xf32>
    %lt3A_1594 = arith.cmpf olt, %add3A_1593, %select_n3A_1582 : vector<8x1024xf32>
    %select_n3A_1595 = arith.select %lt3A_1594, %add3A_1593, %select_n3A_1582 : vector<8x1024xi1>, vector<8x1024xf32>
    %add3A_1596 = arith.constant 968 : i32
    %add3A_1597 = vector.broadcast %add3A_1596 : i32 to vector<8x1024xi32>
    %add3A_1598 = arith.addi %iota3A, %add3A_1597 : vector<8x1024xi32>
    %select_n3A_1599 = arith.select %lt3A_1594, %add3A_1598, %select_n3A_1586 : vector<8x1024xi1>, vector<8x1024xi32>
    %slice3A_1600 = vector.extract_strided_slice %dot_general3A_10 {offsets = [976, 0], sizes = [8, 1024], strides = [1, 1]} : vector<1024x1024xf32> to vector<8x1024xf32>
    %slice3A_1601 = vector.extract_strided_slice %reduce_sum3A_14 {offsets = [976], sizes = [8], strides = [1]} : vector<1024xf32> to vector<8xf32>
    %sub3A_1602 = vector.broadcast %broadcast_in_dim3A : vector<1x1024xf32> to vector<8x1024xf32>
    %sub3A_1603 = arith.subf %sub3A_1602, %slice3A_1600 : vector<8x1024xf32>
    %broadcast_in_dim3A_1604 = vector.shape_cast %slice3A_1601 : vector<8xf32> to vector<8x1xf32>
    %add3A_1605 = vector.broadcast %broadcast_in_dim3A_1604 : vector<8x1xf32> to vector<8x1024xf32>
    %add3A_1606 = arith.addf %sub3A_1603, %add3A_1605 : vector<8x1024xf32>
    %lt3A_1607 = arith.cmpf olt, %add3A_1606, %select_n3A_1595 : vector<8x1024xf32>
    %select_n3A_1608 = arith.select %lt3A_1607, %add3A_1606, %select_n3A_1595 : vector<8x1024xi1>, vector<8x1024xf32>
    %add3A_1609 = arith.constant 976 : i32
    %add3A_1610 = vector.broadcast %add3A_1609 : i32 to vector<8x1024xi32>
    %add3A_1611 = arith.addi %iota3A, %add3A_1610 : vector<8x1024xi32>
    %select_n3A_1612 = arith.select %lt3A_1607, %add3A_1611, %select_n3A_1599 : vector<8x1024xi1>, vector<8x1024xi32>
    %slice3A_1613 = vector.extract_strided_slice %dot_general3A_10 {offsets = [984, 0], sizes = [8, 1024], strides = [1, 1]} : vector<1024x1024xf32> to vector<8x1024xf32>
    %slice3A_1614 = vector.extract_strided_slice %reduce_sum3A_14 {offsets = [984], sizes = [8], strides = [1]} : vector<1024xf32> to vector<8xf32>
    %sub3A_1615 = vector.broadcast %broadcast_in_dim3A : vector<1x1024xf32> to vector<8x1024xf32>
    %sub3A_1616 = arith.subf %sub3A_1615, %slice3A_1613 : vector<8x1024xf32>
    %broadcast_in_dim3A_1617 = vector.shape_cast %slice3A_1614 : vector<8xf32> to vector<8x1xf32>
    %add3A_1618 = vector.broadcast %broadcast_in_dim3A_1617 : vector<8x1xf32> to vector<8x1024xf32>
    %add3A_1619 = arith.addf %sub3A_1616, %add3A_1618 : vector<8x1024xf32>
    %lt3A_1620 = arith.cmpf olt, %add3A_1619, %select_n3A_1608 : vector<8x1024xf32>
    %select_n3A_1621 = arith.select %lt3A_1620, %add3A_1619, %select_n3A_1608 : vector<8x1024xi1>, vector<8x1024xf32>
    %add3A_1622 = arith.constant 984 : i32
    %add3A_1623 = vector.broadcast %add3A_1622 : i32 to vector<8x1024xi32>
    %add3A_1624 = arith.addi %iota3A, %add3A_1623 : vector<8x1024xi32>
    %select_n3A_1625 = arith.select %lt3A_1620, %add3A_1624, %select_n3A_1612 : vector<8x1024xi1>, vector<8x1024xi32>
    %slice3A_1626 = vector.extract_strided_slice %dot_general3A_10 {offsets = [992, 0], sizes = [8, 1024], strides = [1, 1]} : vector<1024x1024xf32> to vector<8x1024xf32>
    %slice3A_1627 = vector.extract_strided_slice %reduce_sum3A_14 {offsets = [992], sizes = [8], strides = [1]} : vector<1024xf32> to vector<8xf32>
    %sub3A_1628 = vector.broadcast %broadcast_in_dim3A : vector<1x1024xf32> to vector<8x1024xf32>
    %sub3A_1629 = arith.subf %sub3A_1628, %slice3A_1626 : vector<8x1024xf32>
    %broadcast_in_dim3A_1630 = vector.shape_cast %slice3A_1627 : vector<8xf32> to vector<8x1xf32>
    %add3A_1631 = vector.broadcast %broadcast_in_dim3A_1630 : vector<8x1xf32> to vector<8x1024xf32>
    %add3A_1632 = arith.addf %sub3A_1629, %add3A_1631 : vector<8x1024xf32>
    %lt3A_1633 = arith.cmpf olt, %add3A_1632, %select_n3A_1621 : vector<8x1024xf32>
    %select_n3A_1634 = arith.select %lt3A_1633, %add3A_1632, %select_n3A_1621 : vector<8x1024xi1>, vector<8x1024xf32>
    %add3A_1635 = arith.constant 992 : i32
    %add3A_1636 = vector.broadcast %add3A_1635 : i32 to vector<8x1024xi32>
    %add3A_1637 = arith.addi %iota3A, %add3A_1636 : vector<8x1024xi32>
    %select_n3A_1638 = arith.select %lt3A_1633, %add3A_1637, %select_n3A_1625 : vector<8x1024xi1>, vector<8x1024xi32>
    %slice3A_1639 = vector.extract_strided_slice %dot_general3A_10 {offsets = [1000, 0], sizes = [8, 1024], strides = [1, 1]} : vector<1024x1024xf32> to vector<8x1024xf32>
    %slice3A_1640 = vector.extract_strided_slice %reduce_sum3A_14 {offsets = [1000], sizes = [8], strides = [1]} : vector<1024xf32> to vector<8xf32>
    %sub3A_1641 = vector.broadcast %broadcast_in_dim3A : vector<1x1024xf32> to vector<8x1024xf32>
    %sub3A_1642 = arith.subf %sub3A_1641, %slice3A_1639 : vector<8x1024xf32>
    %broadcast_in_dim3A_1643 = vector.shape_cast %slice3A_1640 : vector<8xf32> to vector<8x1xf32>
    %add3A_1644 = vector.broadcast %broadcast_in_dim3A_1643 : vector<8x1xf32> to vector<8x1024xf32>
    %add3A_1645 = arith.addf %sub3A_1642, %add3A_1644 : vector<8x1024xf32>
    %lt3A_1646 = arith.cmpf olt, %add3A_1645, %select_n3A_1634 : vector<8x1024xf32>
    %select_n3A_1647 = arith.select %lt3A_1646, %add3A_1645, %select_n3A_1634 : vector<8x1024xi1>, vector<8x1024xf32>
    %add3A_1648 = arith.constant 1000 : i32
    %add3A_1649 = vector.broadcast %add3A_1648 : i32 to vector<8x1024xi32>
    %add3A_1650 = arith.addi %iota3A, %add3A_1649 : vector<8x1024xi32>
    %select_n3A_1651 = arith.select %lt3A_1646, %add3A_1650, %select_n3A_1638 : vector<8x1024xi1>, vector<8x1024xi32>
    %slice3A_1652 = vector.extract_strided_slice %dot_general3A_10 {offsets = [1008, 0], sizes = [8, 1024], strides = [1, 1]} : vector<1024x1024xf32> to vector<8x1024xf32>
    %slice3A_1653 = vector.extract_strided_slice %reduce_sum3A_14 {offsets = [1008], sizes = [8], strides = [1]} : vector<1024xf32> to vector<8xf32>
    %sub3A_1654 = vector.broadcast %broadcast_in_dim3A : vector<1x1024xf32> to vector<8x1024xf32>
    %sub3A_1655 = arith.subf %sub3A_1654, %slice3A_1652 : vector<8x1024xf32>
    %broadcast_in_dim3A_1656 = vector.shape_cast %slice3A_1653 : vector<8xf32> to vector<8x1xf32>
    %add3A_1657 = vector.broadcast %broadcast_in_dim3A_1656 : vector<8x1xf32> to vector<8x1024xf32>
    %add3A_1658 = arith.addf %sub3A_1655, %add3A_1657 : vector<8x1024xf32>
    %lt3A_1659 = arith.cmpf olt, %add3A_1658, %select_n3A_1647 : vector<8x1024xf32>
    %select_n3A_1660 = arith.select %lt3A_1659, %add3A_1658, %select_n3A_1647 : vector<8x1024xi1>, vector<8x1024xf32>
    %add3A_1661 = arith.constant 1008 : i32
    %add3A_1662 = vector.broadcast %add3A_1661 : i32 to vector<8x1024xi32>
    %add3A_1663 = arith.addi %iota3A, %add3A_1662 : vector<8x1024xi32>
    %select_n3A_1664 = arith.select %lt3A_1659, %add3A_1663, %select_n3A_1651 : vector<8x1024xi1>, vector<8x1024xi32>
    %slice3A_1665 = vector.extract_strided_slice %dot_general3A_10 {offsets = [1016, 0], sizes = [8, 1024], strides = [1, 1]} : vector<1024x1024xf32> to vector<8x1024xf32>
    %slice3A_1666 = vector.extract_strided_slice %reduce_sum3A_14 {offsets = [1016], sizes = [8], strides = [1]} : vector<1024xf32> to vector<8xf32>
    %sub3A_1667 = vector.broadcast %broadcast_in_dim3A : vector<1x1024xf32> to vector<8x1024xf32>
    %sub3A_1668 = arith.subf %sub3A_1667, %slice3A_1665 : vector<8x1024xf32>
    %broadcast_in_dim3A_1669 = vector.shape_cast %slice3A_1666 : vector<8xf32> to vector<8x1xf32>
    %add3A_1670 = vector.broadcast %broadcast_in_dim3A_1669 : vector<8x1xf32> to vector<8x1024xf32>
    %add3A_1671 = arith.addf %sub3A_1668, %add3A_1670 : vector<8x1024xf32>
    %lt3A_1672 = arith.cmpf olt, %add3A_1671, %select_n3A_1660 : vector<8x1024xf32>
    %select_n3A_1673 = arith.select %lt3A_1672, %add3A_1671, %select_n3A_1660 : vector<8x1024xi1>, vector<8x1024xf32>
    %add3A_1674 = arith.constant 1016 : i32
    %add3A_1675 = vector.broadcast %add3A_1674 : i32 to vector<8x1024xi32>
    %add3A_1676 = arith.addi %iota3A, %add3A_1675 : vector<8x1024xi32>
    %select_n3A_1677 = arith.select %lt3A_1672, %add3A_1676, %select_n3A_1664 : vector<8x1024xi1>, vector<8x1024xi32>
    %reduce_min3A = arith.constant dense<0x7F800000> : vector<1024xf32>
    %reduce_min3A_1678 = vector.multi_reduction <minimumf>, %select_n3A_1673, %reduce_min3A [0] : vector<8x1024xf32> to vector<1024xf32>
    %broadcast_in_dim3A_1679 = vector.shape_cast %reduce_min3A_1678 : vector<1024xf32> to vector<1x1024xf32>
    %eq3A = vector.broadcast %broadcast_in_dim3A_1679 : vector<1x1024xf32> to vector<8x1024xf32>
    %eq3A_1680 = arith.cmpf oeq, %select_n3A_1673, %eq3A : vector<8x1024xf32>
    %jit3A = arith.constant 1024 : i32
    %broadcast_in_dim3A_1681 = vector.broadcast %jit3A : i32 to vector<8x1024xi32>
    %select_n3A_1682 = arith.select %eq3A_1680, %select_n3A_1677, %broadcast_in_dim3A_1681 : vector<8x1024xi1>, vector<8x1024xi32>
    %reduce_min3A_1683 = arith.constant dense<2147483647> : vector<1024xi32>
    %reduce_min3A_1684 = vector.multi_reduction <minsi>, %select_n3A_1682, %reduce_min3A_1683 [0] : vector<8x1024xi32> to vector<1024xi32>
    %swap3A = arith.constant 0 : index
    %swap3A_1685 = arith.constant 0 : index
    %swap3A_1686 = arith.constant 0 : index
    %swap3A_1687 = vector.load %arg4[%swap3A, %swap3A_1685, %swap3A_1686] : memref<1x1x1024xi32, #tpu.memory_space<vmem>>, vector<1x1x1024xi32>
    %swap3A_1688 = vector.shape_cast %swap3A_1687 : vector<1x1x1024xi32> to vector<1024xi32>
    %swap3A_1689 = vector.shape_cast %reduce_min3A_1684 : vector<1024xi32> to vector<1x1x1024xi32>
    tpu.vector_store %arg4[%swap3A, %swap3A_1685, %swap3A_1686], %swap3A_1689 {strides = array<i32>} : memref<1x1x1024xi32, #tpu.memory_space<vmem>>, vector<1x1x1024xi32>,
    return
  }
  func.func @transform_0(%arg0: i32) -> (i32, i32, i32) {
    %c0_i32 = arith.constant 0 : i32
    %c0_i32_0 = arith.constant 0 : i32
    %c0_i32_1 = arith.constant 0 : i32
    return %arg0, %c0_i32, %c0_i32_0 : i32, i32, i32
  }
  func.func @transform_1(%arg0: i32) -> (i32, i32) {
    %c0_i32 = arith.constant 0 : i32
    %c0_i32_0 = arith.constant 0 : i32
    %c0_i32_1 = arith.constant 0 : i32
    return %c0_i32, %c0_i32_0 : i32, i32
  }
  func.func @transform_2(%arg0: i32) -> (i32, i32) {
    %c0_i32 = arith.constant 0 : i32
    %c0_i32_0 = arith.constant 0 : i32
    %c0_i32_1 = arith.constant 0 : i32
    return %c0_i32, %c0_i32_0 : i32, i32
  }
  func.func @transform_3(%arg0: i32) -> (i32, i32, i32) {
    %c0_i32 = arith.constant 0 : i32
    %c0_i32_0 = arith.constant 0 : i32
    %c0_i32_1 = arith.constant 0 : i32
    return %arg0, %c0_i32, %c0_i32_0 : i32, i32, i32
  }
}

</mosaic_0001>

<sc_bundles>
// kernel: kernel.4.cloned.1.call-start
scs
__scs_entry_jumppad:
0x0: {  	(pc) =	sbr.rel $0x88, $3  }
0x1: {  	(tag) =	ssettag $0x0;
	lr =	simm.s32 $0x1  }
0x2: {  	[smem:$0x3F9F] =	sst lr;
	_ =	strace $0xD0000000  }
0x3: {  	_ = 	snop  }
0x4: {  	_ = 	snop  }
0x5: {  	_ = 	snop  }
0x6: {  	_ = 	snop  }
0x7: {  	_ = 	snop  }
__scs_overlays_trampoline_lowered:
0x8: {  	[smem:$0x3FAE] =	sst s0  }
0x9: {  	[smem:$0x3FAF] =	sst s1  }
0xa: {  	[smem:$0x3FB0] =	sst s2  }
0xb: {  	[smem:$0x3FB1] =	sst s3  }
0xc: {  	[smem:$0x3FB2] =	sst s4  }
0xd: {  	[smem:$0x3FB3] =	sst s5  }
0xe: {  	[smem:$0x3FB4] =	sst s6  }
0xf: {  	[smem:$0x3FB5] =	sst s7  }
0x10: {  	[smem:$0x3FB6] =	sst s8  }
0x11: {  	[smem:$0x3FB7] =	sst s9;
	s0 =	simm.s32 @!p0 $0x0  }
0x12: {  	s1 =	sld [smem:$0x3F9D];
	s0 =	simm.s32 @p0 $0x1  }
0x13: {  	[smem:$0x3FB8] =	sst s0;
	s0 =	simm.s32 @!p1 $0x0  }
0x14: {  	s2 =	sld [smem:$0x3F9C];
	s0 =	simm.s32 @p1 $0x1  }
0x15: {  	[smem:$0x3FB9] =	sst s0;
	s0 =	simm.s32 @!p2 $0x0  }
0x16: {  	s3 =	sld [smem:$0x3FDB];
	s0 =	simm.s32 @p2 $0x1  }
0x17: {  	s4 =	simm.s32 $0x1BF5;
	[smem:$0x3FBB] =	sst s0  }
0x18: {  	s0 =	sld [smem:$0x3F9E];
	_ =	swait.ge [sflag:s4], $0x0  }
0x19: {  	s7 =	sld [smem:$0x3F9F]  }
0x1a: {  	s8 =	sadd.s32 $0xFFFFE003, lr  }
0x1b: {  	s9 =	sadd.s32 $0xFFFFFEF7, lr;
	s5 =	simm.s32 $0xFFFFFFFF;
	p2 =	slt.u32 s8, $0xFFFFF086  }
0x1c: {  	p1 =	slt.u32 s9, $0xF7A;
	s5 =	simm.s32 @!p2 $0x0  }
0x1d: {  	s5 =	simm.s32 @p1 $0x1;
	p0 =	seq.s32 s7, s2  }
0x1e: {  	s7 =	smul.u32 @!p0 $0xF7A, s2;
	p2 =	seq.s32 @!p0 s5, $0x0  }
0x1f: {  	s9 =	smul.u32 $0xF7A, s1;
	s8 =	simm.s32 @!p0 $0x1BF5;
	p2 =	por !p2, p0  }
0x20: {  	[sflag:s8] =	ssyncset.s32 @!p0 $0xFFFFF086;
	s6 =	sadd.s32 @!p0 s3, s7;
	s7 =	simm.s32 @!p0 $0x108  }
0x21: {  	s3 =	sadd.s32 s3, s9;
	s6 =	sadd.s32 @!p0 $0x88, s6;
	s7 =	simm.s32 @p2 $0x1082  }
0x22: {  	[simem:s7], [sflag:s8] =	dma.local @!p0 [hbm:s6], $0xF7A  }
0x23: {  	s9 =	sor.u32 $0xD0000000, s2;
	s6 =	simm.s32 $0x108;
	_ =	swait.ge @!p0 [sflag:s8], $0x0  }
0x24: {  	s3 =	sadd.s32 $0x88, s3;
	s6 =	simm.s32 @!p1 $0x1082;
	[sflag:s4] =	ssyncset.s32 $0xFFFFF086  }
0x25: {  	[simem:s6], [sflag:s4] =	dma.local [hbm:s3], $0xF7A  }
0x26: {  	[smem:$0x3F9F] =	sst s1;
	(tag) =	ssettag s2;
	_ =	strace s9  }
0x27: {  	s1 =	sld [smem:$0x3FAF]  }
0x28: {  	s2 =	sld [smem:$0x3FB0]  }
0x29: {  	s4 =	sld [smem:$0x3FB2]  }
0x2a: {  	p0 =	seq.s32 s5, $0x0;
	s5 =	sld [smem:$0x3FB3]  }
0x2b: {  	s6 =	sld [smem:$0x3FB4]  }
0x2c: {  	s7 =	sld [smem:$0x3FB5]  }
0x2d: {  	s3 =	simm.s32 $0x108;
	s8 =	sld [smem:$0x3FB6]  }
0x2e: {  	s3 =	simm.s32 @!p0 $0x1082;
	s9 =	sld [smem:$0x3FB7]  }
0x2f: {  	lr =	sadd.s32 s0, s3;
	s0 =	sld [smem:$0x3FAE]  }
0x30: {  	s3 =	sld [smem:$0x3FB1]  }
0x31: {  	[smem:$0x3FBA] =	sst s10  }
0x32: {  	s10 =	sld [smem:$0x3FB8];
	_ =	sdelay $0x3  }
0x33: {  	p0 =	seq.s32 s10, $0x1;
	s10 =	sld [smem:$0x3FBA];
	_ =	sdelay $0x3  }
0x34: {  	[smem:$0x3FBA] =	sst s10  }
0x35: {  	s10 =	sld [smem:$0x3FB9];
	_ =	sdelay $0x3  }
0x36: {  	p1 =	seq.s32 s10, $0x1;
	s10 =	sld [smem:$0x3FBA];
	_ =	sdelay $0x3  }
0x37: {  	[smem:$0x3FBA] =	sst s10  }
0x38: {  	s10 =	sld [smem:$0x3FBB]  }
0x39: {  	_ = 	snop;
	(pc) =	sbr.ind lr, $3  }
0x3a: {  	_ = 	snop  }
0x3b: {  	_ = 	snop  }
0x3c: {  	p2 =	seq.s32 s10, $0x1;
	s10 =	sld [smem:$0x3FBA]  }
0x3d: {  	_ =	shalt  }
0x3e: {  	_ =	shalt  }
0x3f: {  	_ =	shalt  }
0x40: {  	_ =	shalt  }
0x41: {  	_ =	shalt  }
0x42: {  	_ =	shalt  }
0x43: {  	_ =	shalt  }
0x44: {  	_ =	shalt  }
0x45: {  	_ =	shalt  }
0x46: {  	_ =	shalt  }
0x47: {  	_ =	shalt  }
0x48: {  	_ =	shalt  }
0x49: {  	_ =	shalt  }
0x4a: {  	_ =	shalt  }
0x4b: {  	_ =	shalt  }
0x4c: {  	_ =	shalt  }
0x4d: {  	_ =	shalt  }
0x4e: {  	_ =	shalt  }
0x4f: {  	_ =	shalt  }
0x50: {  	_ =	shalt  }
0x51: {  	_ =	shalt  }
0x52: {  	_ =	shalt  }
0x53: {  	_ =	shalt  }
0x54: {  	_ =	shalt  }
0x55: {  	_ =	shalt  }
0x56: {  	_ =	shalt  }
0x57: {  	_ =	shalt  }
0x58: {  	_ =	shalt  }
0x59: {  	_ =	shalt  }
0x5a: {  	_ =	shalt  }
0x5b: {  	_ =	shalt  }
0x5c: {  	_ =	shalt  }
0x5d: {  	_ =	shalt  }
0x5e: {  	_ =	shalt  }
0x5f: {  	_ =	shalt  }
0x60: {  	_ =	shalt  }
0x61: {  	_ =	shalt  }
0x62: {  	_ =	shalt  }
0x63: {  	_ =	shalt  }
0x64: {  	_ =	shalt  }
0x65: {  	_ =	shalt  }
0x66: {  	_ =	shalt  }
0x67: {  	_ =	shalt  }
0x68: {  	_ =	shalt  }
0x69: {  	_ =	shalt  }
0x6a: {  	_ =	shalt  }
0x6b: {  	_ =	shalt  }
0x6c: {  	_ =	shalt  }
0x6d: {  	_ =	shalt  }
0x6e: {  	_ =	shalt  }
0x6f: {  	_ =	shalt  }
0x70: {  	_ =	shalt  }
0x71: {  	_ =	shalt  }
0x72: {  	_ =	shalt  }
0x73: {  	_ =	shalt  }
0x74: {  	_ =	shalt  }
0x75: {  	_ =	shalt  }
0x76: {  	_ =	shalt  }
0x77: {  	_ =	shalt  }
0x78: {  	_ =	shalt  }
0x79: {  	_ =	shalt  }
0x7a: {  	_ =	shalt  }
0x7b: {  	_ =	shalt  }
0x7c: {  	_ =	shalt  }
0x7d: {  	_ =	shalt  }
0x7e: {  	_ =	shalt  }
0x7f: {  	_ =	shalt  }
0x80: {  	_ =	shalt  }
0x81: {  	_ =	shalt  }
0x82: {  	_ =	shalt  }
0x83: {  	_ =	shalt  }
0x84: {  	_ =	shalt  }
0x85: {  	_ =	shalt  }
0x86: {  	_ =	shalt  }
0x87: {  	_ =	shalt  }
.Lfunc_end0:
.L_simem_size_0:
called_computation_lowered:
.L_overlay_start_0:
0x88: {  	s2 =	sld [smem:$0x3FD9]  }
0x89: {  	s3 =	sld [smem:$0x3FFE];
	_ =	sdelay $0x1  }
0x8a: {  	s1 =	srdreg.scid  }
0x8b: {  	s0 =	sand.u32 $0x1, s1  }
0x8c: {  	s14 =	sshll.u32 s0, $0xA;
	s2 =	sadd.s32 s3, s2  }
0x8d: {  	s2 =	sadd.s32 s2, s14  }
0x8e: {  	[smem:$0x3FC6] =	sst s2  }
0x8f: {  	_ = 	snop  }
0x90: {  	s2 =	sld [smem:$0x3FD0];
	_ =	sdelay $0x2  }
0x91: {  	s15 =	simm.s32 $0xA;
	s4 =	simm.s32 $0x10  }
0x92: {  	[smem:s4], [sflag:s15] =	dma.local [hbm:s2], $0x1  }
0x93: {  	_ =	swait.eq [sflag:s15], $0x1  }
0x94: {  	[sflag:s15] =	ssyncset.done $0x0  }
0x95: {  	[sflag:s15] =	ssyncadd.s32 $0xFFFFFFFF  }
0x96: {  	s16 =	sld [smem:$0x11];
	(tm) =	ssettm $0x1  }
0x97: {  	s17 =	sld [smem:$0x3FFB];
	_ =	sdelay $0x3  }
0x98: {  	_ =	strace s17  }
0x99: {  	s3 =	sld [smem:$0x3FFC];
	_ =	sdelay $0x3  }
0x9a: {  	_ =	strace s3  }
0x9b: {  	s3 =	sld [smem:$0x3FFD];
	_ =	sdelay $0x3  }
0x9c: {  	_ =	strace s3  }
0x9d: {  	_ =	strace $0x8FFFFFFF  }
0x9e: {  	s18 =	sld [smem:$0x3FDB];
	_ =	sdelay $0x1  }
0x9f: {  	s19 =	simm.s32 $_scs_section_size  }
0xa0: {  	s5 =	simm.s32 $_size__tile_overlayer_lowered;
	s6 =	simm.s32 $_tile_overlayer_lowered  }
0xa1: {  	s22 =	simm.s32 $0x1BFF;
	s21 =	sshll.u32 s6, $0x1;
	s3 =	sadd.s32 s19, s18  }
0xa2: {  	s7 =	simm.s32 $0x0;
	s20 =	sshll.u32 s5, $0x1;
	s5 =	sadd.s32 s21, s3  }
0xa3: {  	[timem:s7], [sflag:s22] =	dma.local [hbm:s5], s20  }
0xa4: {  	_ =	swait.ge [sflag:s22], s20  }
0xa5: {  	s4 =	ssub.s32 $0x0, s20;
	[sflag:s22] =	ssyncset.done $0x0  }
0xa6: {  	[sflag:s22] =	ssyncadd.s32 s4;
	_ =	sdelay $0x1  }
0xa7: {  	s23 =	simm.s32 $0x1B8B  }
0xa8: {  	_ =	swait.ge [sflag:s23], $0x1  }
0xa9: {  	[sflag:s23] =	ssyncset.done $0x0  }
0xaa: {  	s25 =	simm.s32 $0x1B8E;
	s24 =	sld [smem:$0x3FFE];
	[sflag:s23] =	ssyncadd.s32 $0xFFFFFFFF  }
0xab: {  	s26 =	simm.s32 $execute0_lowered;
	[smem:$0x3FD2] =	sst s25  }
0xac: {  	s5 =	sshll.u32 s26, $0x1;
	_ =	strace $0x80000046;
	[dreg:$0x1] =	wrdreg $0xFFFFFFFF  }
0xad: {  	s28 =	simm.s32 $_size_execute0_lowered;
	s3 =	sadd.s32 s3, s5;
	[dreg:$0x0] =	wrdreg $0x0  }
0xae: {  	s5 =	sshll.u32 s28, $0x1;
	[dreg:$0x2] =	wrdreg s3  }
0xaf: {  	[dreg:$0x3] =	wrdreg s5  }
0xb0: {  	[dreg:$0x4] =	wrdreg $0xC0  }
0xb1: {  	_ =	task [dreg:s7], $0x5FFFF  }
0xb2: {  	[dreg:$0x1] =	wrdreg $0xFFFFFFFF  }
0xb3: {  	[dreg:$0x0] =	wrdreg $0x60  }
0xb4: {  	[dreg:$0x2] =	wrdreg s24  }
0xb5: {  	[dreg:$0x3] =	wrdreg s16  }
0xb6: {  	[dreg:$0x4] =	wrdreg $0x9  }
0xb7: {  	_ =	task.clear_ibuf [dreg:s7], $0x5FFFF;
	_ =	strace $0x90000046  }
0xb8: {  	s29 =	simm.s32 $0x9;
	_ =	strace $0x80000048  }
0xb9: {  	_ =	swait.ge [sflag:s29], $0x1  }
0xba: {  	[sflag:s29] =	ssyncadd.s32 $0xFFFFFFFF  }
0xbb: {  	_ =	strace $0x90000048  }
0xbc: {  	_ =	sfence  }
0xbd: {  	s30 =	sld [smem:$0x0];
	_ =	sdelay $0x2  }
0xbe: {  	s31 =	sshll.u32 s1, $0xD;
	s1 =	sshrl.u32 s1, $0x2  }
0xbf: {  	s3 =	sand.u32 $0x4000, s31;
	s1 =	sadd.s32 s1, s30  }
0xc0: {  	s0 =	sor.u32 s3, s0;
	s1 =	sshll.u32 s1, $0x11  }
0xc1: {  	s0 =	sor.u32 s1, s0  }
0xc2: {  	s0 =	sadd.s32 $0x8F2B, s0  }
0xc3: {  	[sflag:s0] =	ssyncadd.remote.s32 $0x1  }
0xc4: {  	_ =	sfence.sel $0xFFFF  }
0xc5: {  	[dreg:$0x0] =	wrdreg $0xFFFFFFFF;
	(pc) =	sbr.abs _section_cstart, $3  }
0xc6: {  	[dreg:$0x1] =	wrdreg $0xFFFFFFFF  }
0xc7: {  	_ =	task.clear_ibuf [dreg:s7], $0x2FFFF;
	_ =	strace $0x9FFFFFFF  }
0xc8: {  	(tm) =	ssettm $0x7FFFFFFF  }
0xc9: {  	_ =	shalt  }
tec
execute0_lowered:
.L_overlay_start_1:
0x0: {  	(tag) =	ssettag $0x1  }
0x1: {  	s3 =	rddreg [dreg:$0x0]  }
0x2: {  	s4 =	rddreg [dreg:$0x1];
	s1 =	stileid.u32  }
0x3: {  	s0 =	rddreg [dreg:$0x2];
	s5 =	srdreg.scid  }
0x4: {  	s2 =	simm.s32 $0x0;
	s10 =	simm.s32 $0x4400;
	s11 =	simm.s32 $0x0  }
0x5: {  	s6 =	sshll.u32 s1, $0x1;
	s5 =	sand.u32 $0x1, s5;
	[smem:$0x7FF] =	sst s2  }
0x6: {  	s8 =	sshrl.u32 s1, $0x1;
	s6 =	sand.u32 $0x2, s6;
	_ =	strace $0x80000047  }
0x7: {  	s9 =	sshll.u32 s8, $0x7;
	s8 =	sshll.u32 s8, $0x4;
	s6 =	sor.u32 s5, s6  }
0x8: {  	s5 =	ssub.s32 $0x2, s5;
	s31 =	sadd.s32 s4, s8;
	s8 =	simm.s32 $0x400  }
0x9: {  	s7 =	sshll.u32 s6, $0xB;
	s29 =	sshrl.u32 s5, $0x1;
	s30 =	sshll.u32 s6, $0xE  }
0xa: {  	s7 =	sadd.s32 s7, s3;
	s3 =	sadd.s32 s9, s3;
	s9 =	ssub.s32 s5, s29  }
0xb: {  	s5 =	sadd.s32 s30, s31;
	s3 =	sadd.s32 $0x2600, s3;
	s4 =	sadd.s32 $0x600, s7  }
0xc: {  	s6 =	smax.u32 s9, $0x1;
	s7 =	simm.s32 $0x1;
	s9 =	simm.s32 $0x80  }
.LBB2_1:
0xd: {  	[tilespmem:s2], [sflag:$0x1] =	stream.linear.gather [hbm4b:s3+s2], $0x400, $0x38;
	[tilespmem:$0x8400] =	vst v63  }
0xe: {  	_ =	swait.ge [sflag:s7], $0x400  }
0xf: {  	[sflag:s7] =	ssyncset.done $0x0  }
0x10: {  	[sflag:s7] =	ssyncadd.s32 $0xFFFFFC00  }
0x11: {  	[tilespmem:s8], [sflag:$0x1] =	stream.linear.gather [hbm4b:s4+s2], $0x4000, $0x38;
	[tilespmem:$0x8400] =	vst v63  }
0x12: {  	_ =	swait.ge [sflag:s7], $0x4000  }
0x13: {  	[sflag:s7] =	ssyncset.done $0x0  }
0x14: {  	[sflag:s7] =	ssyncadd.s32 $0xFFFFC000  }
0x15: {  	v0 =	vld [tilespmem:s2+$0x0];
	_ =	sdelay $0x7  }
0x16: {  	v1 =	vld.idx.msk [tilespmem:v0+s8+$0x0], $0xffff  }
0x17: {  	v2 =	vadd.s32 $0x400, v0;
	_ =	sdelay $0x3  }
0x18: {  	[tilespmem:s10+$0x0] =	vst v1  }
0x19: {  	v1 =	vld.idx.msk [tilespmem:v2+s8+$0x0], $0xffff  }
0x1a: {  	v51 =	vadd.s32 $0x800, v0;
	_ =	sdelay $0x2  }
0x1b: {  	s12 =	sand.u32 $0x3F0, s2  }
0x1c: {  	[tilespmem:s12+$0x4800] =	vst v1  }
0x1d: {  	v1 =	vld.idx.msk [tilespmem:v51+s8+$0x0], $0xffff  }
0x1e: {  	v52 =	vadd.s32 $0xC00, v0;
	_ =	sdelay $0x3  }
0x1f: {  	[tilespmem:s12+$0x4C00] =	vst v1  }
0x20: {  	v1 =	vld.idx.msk [tilespmem:v52+s8+$0x0], $0xffff  }
0x21: {  	v53 =	vadd.s32 $0x1000, v0;
	_ =	sdelay $0x3  }
0x22: {  	[tilespmem:s12+$0x5000] =	vst v1  }
0x23: {  	v1 =	vld.idx.msk [tilespmem:v53+s8+$0x0], $0xffff  }
0x24: {  	v54 =	vadd.s32 $0x1400, v0;
	_ =	sdelay $0x3  }
0x25: {  	[tilespmem:s12+$0x5400] =	vst v1  }
0x26: {  	v1 =	vld.idx.msk [tilespmem:v54+s8+$0x0], $0xffff  }
0x27: {  	v55 =	vadd.s32 $0x1800, v0;
	_ =	sdelay $0x3  }
0x28: {  	[tilespmem:s12+$0x5800] =	vst v1  }
0x29: {  	v1 =	vld.idx.msk [tilespmem:v55+s8+$0x0], $0xffff  }
0x2a: {  	v56 =	vadd.s32 $0x1C00, v0;
	_ =	sdelay $0x3  }
0x2b: {  	[tilespmem:s12+$0x5C00] =	vst v1  }
0x2c: {  	v1 =	vld.idx.msk [tilespmem:v56+s8+$0x0], $0xffff  }
0x2d: {  	v57 =	vadd.s32 $0x2000, v0;
	_ =	sdelay $0x3  }
0x2e: {  	[tilespmem:s12+$0x6000] =	vst v1  }
0x2f: {  	v1 =	vld.idx.msk [tilespmem:v57+s8+$0x0], $0xffff  }
0x30: {  	v58 =	vadd.s32 $0x2400, v0;
	_ =	sdelay $0x3  }
0x31: {  	[tilespmem:s12+$0x6400] =	vst v1  }
0x32: {  	v1 =	vld.idx.msk [tilespmem:v58+s8+$0x0], $0xffff  }
0x33: {  	v59 =	vadd.s32 $0x2800, v0;
	_ =	sdelay $0x3  }
0x34: {  	[tilespmem:s12+$0x6800] =	vst v1  }
0x35: {  	v1 =	vld.idx.msk [tilespmem:v59+s8+$0x0], $0xffff  }
0x36: {  	v60 =	vadd.s32 $0x2C00, v0;
	_ =	sdelay $0x3  }
0x37: {  	[tilespmem:s12+$0x6C00] =	vst v1  }
0x38: {  	v1 =	vld.idx.msk [tilespmem:v60+s8+$0x0], $0xffff  }
0x39: {  	v61 =	vadd.s32 $0x3000, v0;
	_ =	sdelay $0x3  }
0x3a: {  	[tilespmem:s12+$0x7000] =	vst v1  }
0x3b: {  	v1 =	vld.idx.msk [tilespmem:v61+s8+$0x0], $0xffff  }
0x3c: {  	v62 =	vadd.s32 $0x3400, v0;
	_ =	sdelay $0x3  }
0x3d: {  	[tilespmem:s12+$0x7400] =	vst v1  }
0x3e: {  	v1 =	vld.idx.msk [tilespmem:v62+s8+$0x0], $0xffff  }
0x3f: {  	v63 =	vadd.s32 $0x3800, v0;
	_ =	sdelay $0x3  }
0x40: {  	[tilespmem:s12+$0x7800] =	vst v1  }
0x41: {  	v1 =	vld.idx.msk [tilespmem:v63+s8+$0x0], $0xffff  }
0x42: {  	v0 =	vadd.s32 $0x3C00, v0;
	_ =	sdelay $0x3  }
0x43: {  	[tilespmem:s12+$0x7C00] =	vst v1  }
0x44: {  	v0 =	vld.idx.msk [tilespmem:v0+s8+$0x0], $0xffff;
	_ =	sdelay $0x4  }
0x45: {  	s13 =	simm.s32 $0x10;
	s14 =	simm.s32 $0x4400;
	[tilespmem:s12+$0x8000] =	vst v0;
	s12 =	simm.s32 $0x10  }
.LBB2_2:
0x46: {  	v1 =	vld [tilespmem:s12+$0x0];
	p0 =	sne.s32 s13, $0x3F0;
	_ =	sdelay $0x4  }
0x47: {  	v0 =	vadd.s32 $0x3C00, v1;
	_ =	sdelay $0x2  }
0x48: {  	v2 =	vld.idx.msk [tilespmem:v1+s8+$0x0], $0xffff;
	_ =	sdelay $0x1  }
0x49: {  	v3 =	vadd.s32 $0x400, v1;
	_ =	sdelay $0x2  }
0x4a: {  	s14 =	sadd.s32 $0x10, s14  }
0x4b: {  	[tilespmem:s14+$0x0] =	vst v2  }
0x4c: {  	v2 =	vld.idx.msk [tilespmem:v3+s8+$0x0], $0xffff;
	_ =	sdelay $0x1  }
0x4d: {  	v3 =	vadd.s32 $0x800, v1;
	_ =	sdelay $0x2  }
0x4e: {  	s15 =	sand.u32 $0x3F0, s13  }
0x4f: {  	[tilespmem:s15+$0x4800] =	vst v2  }
0x50: {  	v2 =	vld.idx.msk [tilespmem:v3+s8+$0x0], $0xffff;
	_ =	sdelay $0x1  }
0x51: {  	v3 =	vadd.s32 $0xC00, v1;
	_ =	sdelay $0x3  }
0x52: {  	[tilespmem:s15+$0x4C00] =	vst v2  }
0x53: {  	v2 =	vld.idx.msk [tilespmem:v3+s8+$0x0], $0xffff;
	_ =	sdelay $0x1  }
0x54: {  	v3 =	vadd.s32 $0x1000, v1;
	_ =	sdelay $0x3  }
0x55: {  	[tilespmem:s15+$0x5000] =	vst v2  }
0x56: {  	v2 =	vld.idx.msk [tilespmem:v3+s8+$0x0], $0xffff;
	_ =	sdelay $0x1  }
0x57: {  	v3 =	vadd.s32 $0x1400, v1;
	_ =	sdelay $0x3  }
0x58: {  	[tilespmem:s15+$0x5400] =	vst v2  }
0x59: {  	v2 =	vld.idx.msk [tilespmem:v3+s8+$0x0], $0xffff;
	_ =	sdelay $0x1  }
0x5a: {  	v3 =	vadd.s32 $0x1800, v1;
	_ =	sdelay $0x3  }
0x5b: {  	[tilespmem:s15+$0x5800] =	vst v2  }
0x5c: {  	v2 =	vld.idx.msk [tilespmem:v3+s8+$0x0], $0xffff;
	_ =	sdelay $0x1  }
0x5d: {  	v3 =	vadd.s32 $0x1C00, v1;
	_ =	sdelay $0x3  }
0x5e: {  	[tilespmem:s15+$0x5C00] =	vst v2  }
0x5f: {  	v2 =	vld.idx.msk [tilespmem:v3+s8+$0x0], $0xffff;
	_ =	sdelay $0x1  }
0x60: {  	v3 =	vadd.s32 $0x2000, v1;
	_ =	sdelay $0x3  }
0x61: {  	[tilespmem:s15+$0x6000] =	vst v2  }
0x62: {  	v2 =	vld.idx.msk [tilespmem:v3+s8+$0x0], $0xffff;
	_ =	sdelay $0x1  }
0x63: {  	v3 =	vadd.s32 $0x2400, v1;
	_ =	sdelay $0x3  }
0x64: {  	[tilespmem:s15+$0x6400] =	vst v2  }
0x65: {  	v2 =	vld.idx.msk [tilespmem:v3+s8+$0x0], $0xffff;
	_ =	sdelay $0x1  }
0x66: {  	v3 =	vadd.s32 $0x2800, v1;
	_ =	sdelay $0x3  }
0x67: {  	[tilespmem:s15+$0x6800] =	vst v2  }
0x68: {  	v2 =	vld.idx.msk [tilespmem:v3+s8+$0x0], $0xffff;
	_ =	sdelay $0x1  }
0x69: {  	v3 =	vadd.s32 $0x2C00, v1;
	_ =	sdelay $0x3  }
0x6a: {  	[tilespmem:s15+$0x6C00] =	vst v2  }
0x6b: {  	v2 =	vld.idx.msk [tilespmem:v3+s8+$0x0], $0xffff;
	_ =	sdelay $0x1  }
0x6c: {  	v3 =	vadd.s32 $0x3000, v1;
	_ =	sdelay $0x3  }
0x6d: {  	[tilespmem:s15+$0x7000] =	vst v2  }
0x6e: {  	v2 =	vld.idx.msk [tilespmem:v3+s8+$0x0], $0xffff;
	_ =	sdelay $0x1  }
0x6f: {  	v3 =	vadd.s32 $0x3400, v1;
	_ =	sdelay $0x3  }
0x70: {  	[tilespmem:s15+$0x7400] =	vst v2  }
0x71: {  	v2 =	vld.idx.msk [tilespmem:v3+s8+$0x0], $0xffff;
	_ =	sdelay $0x1  }
0x72: {  	v1 =	vadd.s32 $0x3800, v1;
	_ =	sdelay $0x3  }
0x73: {  	[tilespmem:s15+$0x7800] =	vst v2  }
0x74: {  	v1 =	vld.idx.msk [tilespmem:v1+s8+$0x0], $0xffff;
	_ =	sdelay $0x5  }
0x75: {  	[tilespmem:s15+$0x7C00] =	vst v1  }
0x76: {  	v0 =	vld.idx.msk [tilespmem:v0+s8+$0x0], $0xffff;
	_ =	sdelay $0x1  }
.Ltmp0:
0x77: {  	(pc) =	sbr.rel @p0 .LBB2_2-.Ltmp0, $2  }
0x78: {  	_ =	sdelay $0x2  }
0x79: {  	s12 =	sadd.s32 $0x10, s12;
	s13 =	sadd.s32 $0x10, s13;
	[tilespmem:s15+$0x8000] =	vst v0  }
0x7a: {  	s11 =	sadd.s32 $0x1, s11  }
0x7b: {  	p0 =	sne.s32 s11, s6  }
.Ltmp1:
0x7c: {  	_ = 	snop;
	(pc) =	sbr.rel @p0 .LBB2_1-.Ltmp1, $4  }
0x7d: {  	[hbm4b:s5+s9] =	stream.strided.scatter [tilespmem:s10], [sflag:$0x1], $0x4000, s8, s9, $0x38;
	[tilespmem:$0x8400] =	vst v63  }
0x7e: {  	_ =	swait.ge [sflag:s7], $0x4000  }
0x7f: {  	[sflag:s7] =	ssyncset.done $0x0  }
0x80: {  	[sflag:s7] =	ssyncadd.s32 $0xFFFFC000  }
0x81: {  	_ =	sfence.sel $0x180000  }
0x82: {  	[bflag:$0x0] =	sbarrier.arrive $0xFFFF  }
0x83: {  	p0 =	sne.s32 s1, $0x0;
	_ =	strace $0x90000047  }
0x84: {  	s0 =	sadd.s32 @!p0 $0x100000, s0;
	[bflag:$0x2] =	sbarrier.arrive $0xFFFF  }
0x85: {  	[sflag:s0] =	ssyncadd.tile.s32 @!p0 $0x1;
	_ =	shalt  }
.Lfunc_end2:
_tile_overlayer_lowered:
.L_overlay_start_2:
0x86: {  	(tag) =	ssettag $0x2  }
0x87: {  	s0 =	rddreg [dreg:$0x0];
	s2 =	stileid.u32  }
0x88: {  	s1 =	rddreg [dreg:$0x1];
	p0 =	sne.s32 s2, $0x0  }
0x89: {  	s3 =	rddreg [dreg:$0x2];
	[bflag:$0x3] =	sbarrier.arrive $0xFFFF;
	s2 =	simm.s32 @!p0 $0x1C01  }
0x8a: {  	[timem:s3], [sflag:s2] =	dma.local @!p0 [hbm:s0], s1  }
0x8b: {  	s0 =	simm.s32 @!p0 $0x1  }
0x8c: {  	_ =	swait.ge @!p0 [sflag:s0], s1  }
0x8d: {  	s1 =	ssub.s32 @!p0 $0x0, s1;
	[sflag:s0] =	ssyncset.done @!p0 $0x0  }
0x8e: {  	[sflag:s0] =	ssyncadd.s32 @!p0 s1  }
0x8f: {  	[bflag:$0x3] =	sbarrier.arrive $0xFFFF  }
0x90: {  	_ =	shalt  }

</sc_bundles>
